<compile_context>
chip_gen: v7x
topology: tpu7x:2x2x1
jax: 0.10.2.dev20260603
libtpu: 0.0.44.dev20260713+nightly
codegen_flags: <defaults>
</compile_context>

<pallas_src>
import functools

import jax
import jax.numpy as jnp
from jax import lax
from jax.experimental import pallas as pl
from jax.experimental.pallas import tpu as pltpu
from jax.experimental.pallas import tpu_sc as plsc

K = 8
EPS = 1e-5
THA = 7
THC = 7
LANES = 16


def _stage_a_body(ct_ref, xt_ref, g_ref, b_ref,
                  mc_ref, s1t_ref, s2t_ref, m2_ref, c2_ref, gt_ref, bt_ref,
                  s1acc, s2acc):
    i = pl.program_id(0)
    n = pl.num_programs(0)
    P = THA * 14
    B, C = s1acc.shape
    ctb = ct_ref[...]
    xb = xt_ref[...].reshape(P, B, C)
    pmc = lax.dot_general(ctb, xb, (((2,), (2,)), ((0,), (0,))),
                          preferred_element_type=jnp.float32)
    pmc = jnp.sum(pmc, axis=0)
    ps1 = jnp.sum(xb, axis=0)
    ps2 = jnp.sum(xb * xb, axis=0)

    pc2 = jnp.sum(jnp.sum(ctb * ctb, axis=0), axis=1, keepdims=True)

    @pl.when(i == 0)
    def _():
        mc_ref[...] = pmc
        s1acc[...] = ps1
        s2acc[...] = ps2
        c2_ref[...] = pc2

    @pl.when(i > 0)
    def _():
        mc_ref[...] += pmc
        s1acc[...] += ps1
        s2acc[...] += ps2
        c2_ref[...] += pc2

    @pl.when(i == n - 1)
    def _():
        s2f = s2acc[...]
        s1t_ref[...] = s1acc[...].T
        s2t_ref[...] = s2f.T
        m2_ref[...] = jnp.sum(s2f, axis=1, keepdims=True)
        gt_ref[...] = g_ref[...].T
        bt_ref[...] = b_ref[...].T


def _stage_c_body(xt_ref, sc8_ref, sh8_ref, oh_ref, o_ref):
    xb = xt_ref[...]
    oh = oh_ref[...]
    dn = (((1,), (1,)), ((), ()))
    sb = lax.dot_general(oh, sc8_ref[...], dn,
                         precision=lax.Precision.HIGHEST,
                         preferred_element_type=jnp.float32)
    tb = lax.dot_general(oh, sh8_ref[...], dn,
                         precision=lax.Precision.HIGHEST,
                         preferred_element_type=jnp.float32)
    o_ref[...] = xb * sb[None, None, :, :] + tb[None, None, :, :]


def _fast_rsqrt(v):
    bits = plsc.bitcast(v, jnp.int32)
    y = plsc.bitcast(jnp.int32(0x5F3759DF) - lax.shift_right_logical(bits, 1),
                     jnp.float32)
    for _ in range(3):
        y = y * (1.5 - 0.5 * v * y * y)
    return y


def _sc_middle(mc_t, m2, c2, s1t, s2t, gt, bt, hw):
    C, B = s1t.shape
    nsub = C // LANES
    nb2 = B // 2
    f32 = jnp.float32
    mesh = plsc.VectorSubcoreMesh(core_axis_name="c", subcore_axis_name="s")

    @functools.partial(
        pl.kernel, mesh=mesh,
        compiler_params=pltpu.CompilerParams(needs_layout_passes=False),
        out_type=[jax.ShapeDtypeStruct((C, K), f32),
                  jax.ShapeDtypeStruct((C, K), f32),
                  jax.ShapeDtypeStruct((B, K), f32)],
        scratch_types=[
            pltpu.VMEM((K, B), f32),
            pltpu.VMEM((B, 1), f32),
            pltpu.VMEM((K, 1), f32),
            pltpu.VMEM((LANES, B), f32),
            pltpu.VMEM((LANES, B), f32),
            pltpu.VMEM((LANES, K), f32),
            pltpu.VMEM((LANES, K), f32),
            pltpu.VMEM((K, LANES), f32),
            pltpu.VMEM((K, LANES), f32),
            pltpu.VMEM((K, LANES), f32),
            pltpu.VMEM((LANES, K), f32),
            pltpu.VMEM((LANES, K), f32),
            pltpu.VMEM((B, K), f32),
            pltpu.SemaphoreType.DMA,
        ],
    )
    def middle(mc_ref, m2_ref, c2_ref, s1_ref, s2_ref, g_ref, b_ref,
               sc8_ref, sh8_ref, oh_ref,
               mc_v, m2_v, c2_v, s1_v, s2_v, g_v, b_v,
               acc1, acc2, cntv, oc_v, os_v, oh_v, sem):
        wid = lax.axis_index("s") * 2 + lax.axis_index("c")

        @pl.when(wid < nsub)
        def _():
            c0 = wid * LANES
            copies = [
                pltpu.async_copy(mc_ref, mc_v, sem),
                pltpu.async_copy(m2_ref, m2_v, sem),
                pltpu.async_copy(c2_ref, c2_v, sem),
                pltpu.async_copy(s1_ref.at[pl.ds(c0, LANES), :], s1_v, sem),
                pltpu.async_copy(s2_ref.at[pl.ds(c0, LANES), :], s2_v, sem),
                pltpu.async_copy(g_ref.at[pl.ds(c0, LANES), :], g_v, sem),
                pltpu.async_copy(b_ref.at[pl.ds(c0, LANES), :], b_v, sem),
            ]
            for cp in copies:
                cp.wait()

            iota = lax.iota(jnp.int32, LANES)
            zeros_i = jnp.zeros((LANES,), jnp.int32)
            rowsel = jnp.bitwise_and(iota, 7)
            half_lo = iota < 8
            big = f32(3.0e38)
            c2v = plsc.load_gather(c2_v, [rowsel, zeros_i])

            for k in range(K):
                acc1[k] = jnp.zeros((LANES,), f32)
                acc2[k] = jnp.zeros((LANES,), f32)
                cntv[k] = jnp.zeros((LANES,), f32)

            def _assign(r):
                b0 = 2 * r
                b1 = b0 + 1
                colidx = jnp.where(half_lo, b0, b1)
                rows = plsc.load_gather(mc_v, [rowsel, colidx])
                m2v = plsc.load_gather(m2_v, [colidx, zeros_i])
                diff = jnp.abs(m2v + c2v - 2.0 * rows)
                dA = jnp.where(half_lo, diff, big)
                kA = plsc.all_reduce_ffs(dA == jnp.min(dA))
                dB = jnp.where(half_lo, big, diff)
                kB = plsc.all_reduce_ffs(dB == jnp.min(dB)) - 8
                return kA, kB

            one = jnp.ones((LANES,), f32)
            zero = jnp.zeros((LANES,), f32)
            oh_mask = (zeros_i + wid) == 0

            def loop1(r, carry):
                b0 = 2 * r
                b1 = b0 + 1
                kA, kB = _assign(r)
                i0 = zeros_i + b0
                i1 = zeros_i + b1
                r1a = plsc.load_gather(s1_v, [iota, i0])
                r1b = plsc.load_gather(s1_v, [iota, i1])
                r2a = plsc.load_gather(s2_v, [iota, i0])
                r2b = plsc.load_gather(s2_v, [iota, i1])
                for k in range(K):
                    wa = jnp.where(kA == k, one, zero)
                    wb = jnp.where(kB == k, one, zero)
                    acc1[k] = acc1[k] + r1a * wa + r1b * wb
                    acc2[k] = acc2[k] + r2a * wa + r2b * wb
                    cntv[k] = cntv[k] + wa + wb
                rowi = jnp.where(half_lo, b0, b1)
                kpair = jnp.where(half_lo, kA + zeros_i, kB + zeros_i)
                ohval = jnp.where(rowsel == kpair, one, zero)
                plsc.store_scatter(oh_v, [rowi, rowsel], ohval, mask=oh_mask)
                return carry

            lax.fori_loop(0, nb2, loop1, 0)

            for k in range(K):
                denom = jnp.maximum(cntv[k] * hw, 1.0)
                mean = acc1[k] / denom
                var = acc2[k] / denom - mean * mean
                inv = _fast_rsqrt(var + EPS)
                gk = plsc.load_gather(g_v, [iota, zeros_i + k])
                bk = plsc.load_gather(b_v, [iota, zeros_i + k])
                sck = gk * inv
                shk = bk - mean * sck
                ki = zeros_i + k
                plsc.store_scatter(oc_v, [iota, ki], sck)
                plsc.store_scatter(os_v, [iota, ki], shk)

            pltpu.sync_copy(oc_v, sc8_ref.at[pl.ds(c0, LANES), :])
            pltpu.sync_copy(os_v, sh8_ref.at[pl.ds(c0, LANES), :])

            @pl.when(wid == 0)
            def _():
                pltpu.sync_copy(oh_v, oh_ref)

    return middle(mc_t, m2, c2, s1t, s2t, gt, bt)


def kernel(x, c, gamma, beta):
    B, C, H, W = x.shape
    HW = H * W
    xt = jnp.transpose(x, (2, 3, 0, 1))
    ct = jnp.transpose(c.reshape(K, C, HW), (2, 0, 1))
    f32 = jnp.float32

    mc_t, s1t, s2t, m2, c2, gt, bt = pl.pallas_call(
        _stage_a_body,
        grid=(H // THA,),
        in_specs=[
            pl.BlockSpec((THA * W, K, C), lambda i: (i, 0, 0)),
            pl.BlockSpec((THA, W, B, C), lambda i: (i, 0, 0, 0)),
            pl.BlockSpec((K, C), lambda i: (0, 0)),
            pl.BlockSpec((K, C), lambda i: (0, 0)),
        ],
        out_specs=[
            pl.BlockSpec((K, B), lambda i: (0, 0)),
            pl.BlockSpec((C, B), lambda i: (0, 0)),
            pl.BlockSpec((C, B), lambda i: (0, 0)),
            pl.BlockSpec((B, 1), lambda i: (0, 0)),
            pl.BlockSpec((K, 1), lambda i: (0, 0)),
            pl.BlockSpec((C, K), lambda i: (0, 0)),
            pl.BlockSpec((C, K), lambda i: (0, 0)),
        ],
        out_shape=[
            jax.ShapeDtypeStruct((K, B), f32),
            jax.ShapeDtypeStruct((C, B), f32),
            jax.ShapeDtypeStruct((C, B), f32),
            jax.ShapeDtypeStruct((B, 1), f32),
            jax.ShapeDtypeStruct((K, 1), f32),
            jax.ShapeDtypeStruct((C, K), f32),
            jax.ShapeDtypeStruct((C, K), f32),
        ],
        scratch_shapes=[
            pltpu.VMEM((B, C), f32),
            pltpu.VMEM((B, C), f32),
        ],
    )(ct, xt, gamma, beta)

    sc8, sh8, oh = _sc_middle(mc_t, m2, c2, s1t, s2t, gt, bt, float(HW))

    outT = pl.pallas_call(
        _stage_c_body,
        grid=(H // THC,),
        in_specs=[
            pl.BlockSpec((THC, W, B, C), lambda i: (i, 0, 0, 0)),
            pl.BlockSpec((C, K), lambda i: (0, 0)),
            pl.BlockSpec((C, K), lambda i: (0, 0)),
            pl.BlockSpec((B, K), lambda i: (0, 0)),
        ],
        out_specs=pl.BlockSpec((THC, W, B, C), lambda i: (i, 0, 0, 0)),
        out_shape=jax.ShapeDtypeStruct((H, W, B, C), f32),
    )(xt, sc8, sh8, oh)

    return jnp.transpose(outT, (2, 3, 0, 1))

# --- scband reference (transcript-rebuilt; emitter-appended) ---
"""Pipeline reference for scband-kmeans-batch-norm-38594576122529 (READ-ONLY COPY).

The authoritative reference and input builder live on the scoring server;
editing this copy changes nothing except your own understanding.
"""

import jax, jax.numpy as jnp
import numpy as np

K = 8
EPS = 1e-5

def setup_inputs(seed: int = 0) -> dict:
    key = jax.random.key(seed)
    k1, k2 = jax.random.split(key, 2)
    B, C, H, W = 64, 384, 14, 14
    x = jax.random.normal(k1, (B, C, H, W), dtype=jnp.float32)
    c = jax.random.normal(k2, (K, B and C * H * W), dtype=jnp.float32)
    gamma = jnp.ones((K, C), dtype=jnp.float32)
    beta = jnp.zeros((K, C), dtype=jnp.float32)
    return {"x": x, "c": c, "gamma": gamma, "beta": beta}

def reference(x, c, gamma, beta):
    # Faithful translation of KMeansBatchNorm.forward:
    # 1) flatten each sample, compute squared-distance matrix to k centroids
    # 2) hard-assign each sample to nearest centroid (argsort(...)[:,0] == argmin)
    # 3) apply a per-cluster BatchNorm2d (training-mode batch statistics over the
    #    subset of samples assigned to that cluster) and scatter results back.
    B, C, H, W = x.shape
    m = x.reshape(B, -1)                      # [B, D]
    mc = m @ c.T                              # [B, K]
    m2 = jnp.sum(m ** 2, axis=1)              # [B]
    c2 = jnp.sum(c ** 2, axis=1)              # [K]
    diff = jnp.abs(m2[:, None] + c2[None, :] - 2.0 * mc)  # [B, K]
    assign = jnp.argmin(diff, axis=1)         # [B] nearest centroid per sample

    onehot = jax.nn.one_hot(assign, K, dtype=x.dtype)      # [B, K]
    # per-cluster, per-channel batch statistics over (N_subset, H, W)
    cnt = jnp.sum(onehot, axis=0) * (H * W)                # [K] element count per channel
    sum_x = jnp.einsum('bk,bchw->kc', onehot, x)           # [K, C]
    sum_x2 = jnp.einsum('bk,bchw->kc', onehot, x * x)      # [K, C]
    denom = jnp.maximum(cnt, 1.0)[:, None]                 # avoid div-by-zero for empty clusters
    mean = sum_x / denom                                   # [K, C]
    var = sum_x2 / denom - mean ** 2                       # biased variance (BatchNorm2d training)

    mean_b = jnp.take(mean, assign, axis=0)                # [B, C] gather per-sample cluster stats
    var_b = jnp.take(var, assign, axis=0)
    g_b = jnp.take(gamma, assign, axis=0)
    b_b = jnp.take(beta, assign, axis=0)

    inv = jax.lax.rsqrt(var_b + EPS)
    out = (x - mean_b[:, :, None, None]) * inv[:, :, None, None]
    out = out * g_b[:, :, None, None] + b_b[:, :, None, None]
    return out

if __name__ == "__main__":
    import jax
    _d = setup_inputs()
    print(jax.jit(kernel)(*tuple(_d.values())))

</pallas_src>

<mosaic_0001>
#map = affine_map<(d0, d1) -> (0, 0)>
module attributes {stable_mosaic.version = 14 : i64} {
  func.func @middle(%arg0: i32, %arg1: i32, %arg2: memref<8x64xf32, #tpu.memory_space<hbm>>, %arg3: memref<64x1xf32, #tpu.memory_space<hbm>>, %arg4: memref<8x1xf32, #tpu.memory_space<hbm>>, %arg5: memref<384x64xf32, #tpu.memory_space<hbm>>, %arg6: memref<384x64xf32, #tpu.memory_space<hbm>>, %arg7: memref<384x8xf32, #tpu.memory_space<hbm>>, %arg8: memref<384x8xf32, #tpu.memory_space<hbm>>, %arg9: memref<384x8xf32, #tpu.memory_space<hbm>>, %arg10: memref<384x8xf32, #tpu.memory_space<hbm>>, %arg11: memref<64x8xf32, #tpu.memory_space<hbm>>, %arg12: memref<8x64xf32, #tpu.memory_space<vmem>>, %arg13: memref<64x1xf32, #tpu.memory_space<vmem>>, %arg14: memref<8x1xf32, #tpu.memory_space<vmem>>, %arg15: memref<16x64xf32, #tpu.memory_space<vmem>>, %arg16: memref<16x64xf32, #tpu.memory_space<vmem>>, %arg17: memref<16x8xf32, #tpu.memory_space<vmem>>, %arg18: memref<16x8xf32, #tpu.memory_space<vmem>>, %arg19: memref<8x16xf32, #tpu.memory_space<vmem>>, %arg20: memref<8x16xf32, #tpu.memory_space<vmem>>, %arg21: memref<8x16xf32, #tpu.memory_space<vmem>>, %arg22: memref<16x8xf32, #tpu.memory_space<vmem>>, %arg23: memref<16x8xf32, #tpu.memory_space<vmem>>, %arg24: memref<64x8xf32, #tpu.memory_space<vmem>>, %arg25: memref<!tpu.dma_semaphore, #tpu.memory_space<semaphore_mem>>) attributes {dimension_semantics = [#tpu.dimension_semantics<core_parallel>, #tpu.dimension_semantics<subcore_parallel>], iteration_bounds = array<i64: 2, 16>, scalar_prefetch = 0 : i64, scratch_operands = 14 : i64, tpu.core_type = #tpu.core_type<sc_vector_subcore>, window_params = [{transform_indices = #map}, {transform_indices = #map}, {transform_indices = #map}, {transform_indices = #map}, {transform_indices = #map}, {transform_indices = #map}, {transform_indices = #map}, {transform_indices = #map}, {transform_indices = #map}, {transform_indices = #map}]} {
    %mul3A = arith.constant 2 : i32
    %mul3A_0 = arith.muli %arg1, %mul3A : i32
    %add3A = arith.addi %mul3A_0, %arg0 : i32
    %lt3A = arith.constant 24 : i32
    %lt3A_1 = arith.cmpi slt, %add3A, %lt3A : i32
    %convert_element_type3A = arith.extui %lt3A_1 : i1 to i32
    %cond3A = arith.constant 0 : i32
    %cond3A_2 = arith.cmpi ne, %convert_element_type3A, %cond3A : i32
    scf.if %cond3A_2 {
      %mul3A_3 = arith.constant 16 : i32
      %mul3A_4 = arith.muli %add3A, %mul3A_3 : i32
      tpu.enqueue_dma source(%arg2 : memref<8x64xf32, #tpu.memory_space<hbm>>) target(%arg12 : memref<8x64xf32, #tpu.memory_space<vmem>>) target_semaphore(%arg25 : memref<!tpu.dma_semaphore, #tpu.memory_space<semaphore_mem>>)
      tpu.enqueue_dma source(%arg3 : memref<64x1xf32, #tpu.memory_space<hbm>>) target(%arg13 : memref<64x1xf32, #tpu.memory_space<vmem>>) target_semaphore(%arg25 : memref<!tpu.dma_semaphore, #tpu.memory_space<semaphore_mem>>)
      tpu.enqueue_dma source(%arg4 : memref<8x1xf32, #tpu.memory_space<hbm>>) target(%arg14 : memref<8x1xf32, #tpu.memory_space<vmem>>) target_semaphore(%arg25 : memref<!tpu.dma_semaphore, #tpu.memory_space<semaphore_mem>>)
      %dma_start3A = arith.constant 0 : i32
      %dma_start3A_5 = tpu.memref_slice %arg5[%mul3A_4, %dma_start3A] : memref<384x64xf32, #tpu.memory_space<hbm>> -> memref<16x64xf32, #tpu.memory_space<hbm>>
      %dma_start3A_6 = arith.constant 0 : i32
      %dma_start3A_7 = tpu.memref_slice %arg5[%mul3A_4, %dma_start3A_6] : memref<384x64xf32, #tpu.memory_space<hbm>> -> memref<16x64xf32, #tpu.memory_space<hbm>>
      tpu.enqueue_dma source(%dma_start3A_7 : memref<16x64xf32, #tpu.memory_space<hbm>>) target(%arg15 : memref<16x64xf32, #tpu.memory_space<vmem>>) target_semaphore(%arg25 : memref<!tpu.dma_semaphore, #tpu.memory_space<semaphore_mem>>)
      %dma_start3A_8 = arith.constant 0 : i32
      %dma_start3A_9 = tpu.memref_slice %arg6[%mul3A_4, %dma_start3A_8] : memref<384x64xf32, #tpu.memory_space<hbm>> -> memref<16x64xf32, #tpu.memory_space<hbm>>
      %dma_start3A_10 = arith.constant 0 : i32
      %dma_start3A_11 = tpu.memref_slice %arg6[%mul3A_4, %dma_start3A_10] : memref<384x64xf32, #tpu.memory_space<hbm>> -> memref<16x64xf32, #tpu.memory_space<hbm>>
      tpu.enqueue_dma source(%dma_start3A_11 : memref<16x64xf32, #tpu.memory_space<hbm>>) target(%arg16 : memref<16x64xf32, #tpu.memory_space<vmem>>) target_semaphore(%arg25 : memref<!tpu.dma_semaphore, #tpu.memory_space<semaphore_mem>>)
      %dma_start3A_12 = arith.constant 0 : i32
      %dma_start3A_13 = tpu.memref_slice %arg7[%mul3A_4, %dma_start3A_12] : memref<384x8xf32, #tpu.memory_space<hbm>> -> memref<16x8xf32, #tpu.memory_space<hbm>>
      %dma_start3A_14 = arith.constant 0 : i32
      %dma_start3A_15 = tpu.memref_slice %arg7[%mul3A_4, %dma_start3A_14] : memref<384x8xf32, #tpu.memory_space<hbm>> -> memref<16x8xf32, #tpu.memory_space<hbm>>
      tpu.enqueue_dma source(%dma_start3A_15 : memref<16x8xf32, #tpu.memory_space<hbm>>) target(%arg17 : memref<16x8xf32, #tpu.memory_space<vmem>>) target_semaphore(%arg25 : memref<!tpu.dma_semaphore, #tpu.memory_space<semaphore_mem>>)
      %dma_start3A_16 = arith.constant 0 : i32
      %dma_start3A_17 = tpu.memref_slice %arg8[%mul3A_4, %dma_start3A_16] : memref<384x8xf32, #tpu.memory_space<hbm>> -> memref<16x8xf32, #tpu.memory_space<hbm>>
      %dma_start3A_18 = arith.constant 0 : i32
      %dma_start3A_19 = tpu.memref_slice %arg8[%mul3A_4, %dma_start3A_18] : memref<384x8xf32, #tpu.memory_space<hbm>> -> memref<16x8xf32, #tpu.memory_space<hbm>>
      tpu.enqueue_dma source(%dma_start3A_19 : memref<16x8xf32, #tpu.memory_space<hbm>>) target(%arg18 : memref<16x8xf32, #tpu.memory_space<vmem>>) target_semaphore(%arg25 : memref<!tpu.dma_semaphore, #tpu.memory_space<semaphore_mem>>)
      tpu.wait_dma2 semaphore(%arg25 : memref<!tpu.dma_semaphore, #tpu.memory_space<semaphore_mem>>) src(%arg2 : memref<8x64xf32, #tpu.memory_space<hbm>>) dst(%arg12 : memref<8x64xf32, #tpu.memory_space<vmem>>)
      tpu.wait_dma2 semaphore(%arg25 : memref<!tpu.dma_semaphore, #tpu.memory_space<semaphore_mem>>) src(%arg3 : memref<64x1xf32, #tpu.memory_space<hbm>>) dst(%arg13 : memref<64x1xf32, #tpu.memory_space<vmem>>)
      tpu.wait_dma2 semaphore(%arg25 : memref<!tpu.dma_semaphore, #tpu.memory_space<semaphore_mem>>) src(%arg4 : memref<8x1xf32, #tpu.memory_space<hbm>>) dst(%arg14 : memref<8x1xf32, #tpu.memory_space<vmem>>)
      %dma_wait3A = arith.constant 0 : i32
      %dma_wait3A_20 = tpu.memref_slice %arg5[%mul3A_4, %dma_wait3A] : memref<384x64xf32, #tpu.memory_space<hbm>> -> memref<16x64xf32, #tpu.memory_space<hbm>>
      %dma_wait3A_21 = arith.constant 0 : i32
      %dma_wait3A_22 = tpu.memref_slice %arg5[%mul3A_4, %dma_wait3A_21] : memref<384x64xf32, #tpu.memory_space<hbm>> -> memref<16x64xf32, #tpu.memory_space<hbm>>
      tpu.wait_dma2 semaphore(%arg25 : memref<!tpu.dma_semaphore, #tpu.memory_space<semaphore_mem>>) src(%dma_wait3A_22 : memref<16x64xf32, #tpu.memory_space<hbm>>) dst(%arg15 : memref<16x64xf32, #tpu.memory_space<vmem>>)
      %dma_wait3A_23 = arith.constant 0 : i32
      %dma_wait3A_24 = tpu.memref_slice %arg6[%mul3A_4, %dma_wait3A_23] : memref<384x64xf32, #tpu.memory_space<hbm>> -> memref<16x64xf32, #tpu.memory_space<hbm>>
      %dma_wait3A_25 = arith.constant 0 : i32
      %dma_wait3A_26 = tpu.memref_slice %arg6[%mul3A_4, %dma_wait3A_25] : memref<384x64xf32, #tpu.memory_space<hbm>> -> memref<16x64xf32, #tpu.memory_space<hbm>>
      tpu.wait_dma2 semaphore(%arg25 : memref<!tpu.dma_semaphore, #tpu.memory_space<semaphore_mem>>) src(%dma_wait3A_26 : memref<16x64xf32, #tpu.memory_space<hbm>>) dst(%arg16 : memref<16x64xf32, #tpu.memory_space<vmem>>)
      %dma_wait3A_27 = arith.constant 0 : i32
      %dma_wait3A_28 = tpu.memref_slice %arg7[%mul3A_4, %dma_wait3A_27] : memref<384x8xf32, #tpu.memory_space<hbm>> -> memref<16x8xf32, #tpu.memory_space<hbm>>
      %dma_wait3A_29 = arith.constant 0 : i32
      %dma_wait3A_30 = tpu.memref_slice %arg7[%mul3A_4, %dma_wait3A_29] : memref<384x8xf32, #tpu.memory_space<hbm>> -> memref<16x8xf32, #tpu.memory_space<hbm>>
      tpu.wait_dma2 semaphore(%arg25 : memref<!tpu.dma_semaphore, #tpu.memory_space<semaphore_mem>>) src(%dma_wait3A_30 : memref<16x8xf32, #tpu.memory_space<hbm>>) dst(%arg17 : memref<16x8xf32, #tpu.memory_space<vmem>>)
      %dma_wait3A_31 = arith.constant 0 : i32
      %dma_wait3A_32 = tpu.memref_slice %arg8[%mul3A_4, %dma_wait3A_31] : memref<384x8xf32, #tpu.memory_space<hbm>> -> memref<16x8xf32, #tpu.memory_space<hbm>>
      %dma_wait3A_33 = arith.constant 0 : i32
      %dma_wait3A_34 = tpu.memref_slice %arg8[%mul3A_4, %dma_wait3A_33] : memref<384x8xf32, #tpu.memory_space<hbm>> -> memref<16x8xf32, #tpu.memory_space<hbm>>
      tpu.wait_dma2 semaphore(%arg25 : memref<!tpu.dma_semaphore, #tpu.memory_space<semaphore_mem>>) src(%dma_wait3A_34 : memref<16x8xf32, #tpu.memory_space<hbm>>) dst(%arg18 : memref<16x8xf32, #tpu.memory_space<vmem>>)
      %iota3A = tpu.iota {dimensions = array<i32: 0>} : vector<16xi32>
      %broadcast_in_dim3A = arith.constant 0 : i32
      %broadcast_in_dim3A_35 = vector.broadcast %broadcast_in_dim3A : i32 to vector<16xi32>
      %and3A = arith.constant 7 : i32
      %and3A_36 = vector.broadcast %and3A : i32 to vector<16xi32>
      %and3A_37 = arith.andi %iota3A, %and3A_36 : vector<16xi32>
      %lt3A_38 = arith.constant 8 : i32
      %lt3A_39 = vector.broadcast %lt3A_38 : i32 to vector<16xi32>
      %lt3A_40 = arith.cmpi slt, %iota3A, %lt3A_39 : vector<16xi32>
      %gather3A = tpu.vector_load_idx %arg14[%and3A_37, %broadcast_in_dim3A_35] : memref<8x1xf32, #tpu.memory_space<vmem>>[vector<16xi32>, vector<16xi32>], vector<16xf32>,
      %broadcast_in_dim3A_41 = arith.constant 0.000000e+00 : f32
      %broadcast_in_dim3A_42 = vector.broadcast %broadcast_in_dim3A_41 : f32 to vector<16xf32>
      %swap3A = arith.constant 0 : i32
      %swap3A_43 = arith.index_cast %swap3A : i32 to index
      %swap3A_44 = arith.constant 0 : index
      %swap3A_45 = tpu.vector_load %arg19[%swap3A_43, %swap3A_44] {strides = array<i32>} : memref<8x16xf32, #tpu.memory_space<vmem>>, vector<16xf32>,
      tpu.vector_store %arg19[%swap3A_43, %swap3A_44], %broadcast_in_dim3A_42 {strides = array<i32>} : memref<8x16xf32, #tpu.memory_space<vmem>>, vector<16xf32>,
      %broadcast_in_dim3A_46 = arith.constant 0.000000e+00 : f32
      %broadcast_in_dim3A_47 = vector.broadcast %broadcast_in_dim3A_46 : f32 to vector<16xf32>
      %swap3A_48 = arith.constant 0 : i32
      %swap3A_49 = arith.index_cast %swap3A_48 : i32 to index
      %swap3A_50 = arith.constant 0 : index
      %swap3A_51 = tpu.vector_load %arg20[%swap3A_49, %swap3A_50] {strides = array<i32>} : memref<8x16xf32, #tpu.memory_space<vmem>>, vector<16xf32>,
      tpu.vector_store %arg20[%swap3A_49, %swap3A_50], %broadcast_in_dim3A_47 {strides = array<i32>} : memref<8x16xf32, #tpu.memory_space<vmem>>, vector<16xf32>,
      %broadcast_in_dim3A_52 = arith.constant 0.000000e+00 : f32
      %broadcast_in_dim3A_53 = vector.broadcast %broadcast_in_dim3A_52 : f32 to vector<16xf32>
      %swap3A_54 = arith.constant 0 : i32
      %swap3A_55 = arith.index_cast %swap3A_54 : i32 to index
      %swap3A_56 = arith.constant 0 : index
      %swap3A_57 = tpu.vector_load %arg21[%swap3A_55, %swap3A_56] {strides = array<i32>} : memref<8x16xf32, #tpu.memory_space<vmem>>, vector<16xf32>,
      tpu.vector_store %arg21[%swap3A_55, %swap3A_56], %broadcast_in_dim3A_53 {strides = array<i32>} : memref<8x16xf32, #tpu.memory_space<vmem>>, vector<16xf32>,
      %broadcast_in_dim3A_58 = arith.constant 0.000000e+00 : f32
      %broadcast_in_dim3A_59 = vector.broadcast %broadcast_in_dim3A_58 : f32 to vector<16xf32>
      %swap3A_60 = arith.constant 1 : i32
      %swap3A_61 = arith.index_cast %swap3A_60 : i32 to index
      %swap3A_62 = arith.constant 0 : index
      %swap3A_63 = tpu.vector_load %arg19[%swap3A_61, %swap3A_62] {strides = array<i32>} : memref<8x16xf32, #tpu.memory_space<vmem>>, vector<16xf32>,
      tpu.vector_store %arg19[%swap3A_61, %swap3A_62], %broadcast_in_dim3A_59 {strides = array<i32>} : memref<8x16xf32, #tpu.memory_space<vmem>>, vector<16xf32>,
      %broadcast_in_dim3A_64 = arith.constant 0.000000e+00 : f32
      %broadcast_in_dim3A_65 = vector.broadcast %broadcast_in_dim3A_64 : f32 to vector<16xf32>
      %swap3A_66 = arith.constant 1 : i32
      %swap3A_67 = arith.index_cast %swap3A_66 : i32 to index
      %swap3A_68 = arith.constant 0 : index
      %swap3A_69 = tpu.vector_load %arg20[%swap3A_67, %swap3A_68] {strides = array<i32>} : memref<8x16xf32, #tpu.memory_space<vmem>>, vector<16xf32>,
      tpu.vector_store %arg20[%swap3A_67, %swap3A_68], %broadcast_in_dim3A_65 {strides = array<i32>} : memref<8x16xf32, #tpu.memory_space<vmem>>, vector<16xf32>,
      %broadcast_in_dim3A_70 = arith.constant 0.000000e+00 : f32
      %broadcast_in_dim3A_71 = vector.broadcast %broadcast_in_dim3A_70 : f32 to vector<16xf32>
      %swap3A_72 = arith.constant 1 : i32
      %swap3A_73 = arith.index_cast %swap3A_72 : i32 to index
      %swap3A_74 = arith.constant 0 : index
      %swap3A_75 = tpu.vector_load %arg21[%swap3A_73, %swap3A_74] {strides = array<i32>} : memref<8x16xf32, #tpu.memory_space<vmem>>, vector<16xf32>,
      tpu.vector_store %arg21[%swap3A_73, %swap3A_74], %broadcast_in_dim3A_71 {strides = array<i32>} : memref<8x16xf32, #tpu.memory_space<vmem>>, vector<16xf32>,
      %broadcast_in_dim3A_76 = arith.constant 0.000000e+00 : f32
      %broadcast_in_dim3A_77 = vector.broadcast %broadcast_in_dim3A_76 : f32 to vector<16xf32>
      %swap3A_78 = arith.constant 2 : i32
      %swap3A_79 = arith.index_cast %swap3A_78 : i32 to index
      %swap3A_80 = arith.constant 0 : index
      %swap3A_81 = tpu.vector_load %arg19[%swap3A_79, %swap3A_80] {strides = array<i32>} : memref<8x16xf32, #tpu.memory_space<vmem>>, vector<16xf32>,
      tpu.vector_store %arg19[%swap3A_79, %swap3A_80], %broadcast_in_dim3A_77 {strides = array<i32>} : memref<8x16xf32, #tpu.memory_space<vmem>>, vector<16xf32>,
      %broadcast_in_dim3A_82 = arith.constant 0.000000e+00 : f32
      %broadcast_in_dim3A_83 = vector.broadcast %broadcast_in_dim3A_82 : f32 to vector<16xf32>
      %swap3A_84 = arith.constant 2 : i32
      %swap3A_85 = arith.index_cast %swap3A_84 : i32 to index
      %swap3A_86 = arith.constant 0 : index
      %swap3A_87 = tpu.vector_load %arg20[%swap3A_85, %swap3A_86] {strides = array<i32>} : memref<8x16xf32, #tpu.memory_space<vmem>>, vector<16xf32>,
      tpu.vector_store %arg20[%swap3A_85, %swap3A_86], %broadcast_in_dim3A_83 {strides = array<i32>} : memref<8x16xf32, #tpu.memory_space<vmem>>, vector<16xf32>,
      %broadcast_in_dim3A_88 = arith.constant 0.000000e+00 : f32
      %broadcast_in_dim3A_89 = vector.broadcast %broadcast_in_dim3A_88 : f32 to vector<16xf32>
      %swap3A_90 = arith.constant 2 : i32
      %swap3A_91 = arith.index_cast %swap3A_90 : i32 to index
      %swap3A_92 = arith.constant 0 : index
      %swap3A_93 = tpu.vector_load %arg21[%swap3A_91, %swap3A_92] {strides = array<i32>} : memref<8x16xf32, #tpu.memory_space<vmem>>, vector<16xf32>,
      tpu.vector_store %arg21[%swap3A_91, %swap3A_92], %broadcast_in_dim3A_89 {strides = array<i32>} : memref<8x16xf32, #tpu.memory_space<vmem>>, vector<16xf32>,
      %broadcast_in_dim3A_94 = arith.constant 0.000000e+00 : f32
      %broadcast_in_dim3A_95 = vector.broadcast %broadcast_in_dim3A_94 : f32 to vector<16xf32>
      %swap3A_96 = arith.constant 3 : i32
      %swap3A_97 = arith.index_cast %swap3A_96 : i32 to index
      %swap3A_98 = arith.constant 0 : index
      %swap3A_99 = tpu.vector_load %arg19[%swap3A_97, %swap3A_98] {strides = array<i32>} : memref<8x16xf32, #tpu.memory_space<vmem>>, vector<16xf32>,
      tpu.vector_store %arg19[%swap3A_97, %swap3A_98], %broadcast_in_dim3A_95 {strides = array<i32>} : memref<8x16xf32, #tpu.memory_space<vmem>>, vector<16xf32>,
      %broadcast_in_dim3A_100 = arith.constant 0.000000e+00 : f32
      %broadcast_in_dim3A_101 = vector.broadcast %broadcast_in_dim3A_100 : f32 to vector<16xf32>
      %swap3A_102 = arith.constant 3 : i32
      %swap3A_103 = arith.index_cast %swap3A_102 : i32 to index
      %swap3A_104 = arith.constant 0 : index
      %swap3A_105 = tpu.vector_load %arg20[%swap3A_103, %swap3A_104] {strides = array<i32>} : memref<8x16xf32, #tpu.memory_space<vmem>>, vector<16xf32>,
      tpu.vector_store %arg20[%swap3A_103, %swap3A_104], %broadcast_in_dim3A_101 {strides = array<i32>} : memref<8x16xf32, #tpu.memory_space<vmem>>, vector<16xf32>,
      %broadcast_in_dim3A_106 = arith.constant 0.000000e+00 : f32
      %broadcast_in_dim3A_107 = vector.broadcast %broadcast_in_dim3A_106 : f32 to vector<16xf32>
      %swap3A_108 = arith.constant 3 : i32
      %swap3A_109 = arith.index_cast %swap3A_108 : i32 to index
      %swap3A_110 = arith.constant 0 : index
      %swap3A_111 = tpu.vector_load %arg21[%swap3A_109, %swap3A_110] {strides = array<i32>} : memref<8x16xf32, #tpu.memory_space<vmem>>, vector<16xf32>,
      tpu.vector_store %arg21[%swap3A_109, %swap3A_110], %broadcast_in_dim3A_107 {strides = array<i32>} : memref<8x16xf32, #tpu.memory_space<vmem>>, vector<16xf32>,
      %broadcast_in_dim3A_112 = arith.constant 0.000000e+00 : f32
      %broadcast_in_dim3A_113 = vector.broadcast %broadcast_in_dim3A_112 : f32 to vector<16xf32>
      %swap3A_114 = arith.constant 4 : i32
      %swap3A_115 = arith.index_cast %swap3A_114 : i32 to index
      %swap3A_116 = arith.constant 0 : index
      %swap3A_117 = tpu.vector_load %arg19[%swap3A_115, %swap3A_116] {strides = array<i32>} : memref<8x16xf32, #tpu.memory_space<vmem>>, vector<16xf32>,
      tpu.vector_store %arg19[%swap3A_115, %swap3A_116], %broadcast_in_dim3A_113 {strides = array<i32>} : memref<8x16xf32, #tpu.memory_space<vmem>>, vector<16xf32>,
      %broadcast_in_dim3A_118 = arith.constant 0.000000e+00 : f32
      %broadcast_in_dim3A_119 = vector.broadcast %broadcast_in_dim3A_118 : f32 to vector<16xf32>
      %swap3A_120 = arith.constant 4 : i32
      %swap3A_121 = arith.index_cast %swap3A_120 : i32 to index
      %swap3A_122 = arith.constant 0 : index
      %swap3A_123 = tpu.vector_load %arg20[%swap3A_121, %swap3A_122] {strides = array<i32>} : memref<8x16xf32, #tpu.memory_space<vmem>>, vector<16xf32>,
      tpu.vector_store %arg20[%swap3A_121, %swap3A_122], %broadcast_in_dim3A_119 {strides = array<i32>} : memref<8x16xf32, #tpu.memory_space<vmem>>, vector<16xf32>,
      %broadcast_in_dim3A_124 = arith.constant 0.000000e+00 : f32
      %broadcast_in_dim3A_125 = vector.broadcast %broadcast_in_dim3A_124 : f32 to vector<16xf32>
      %swap3A_126 = arith.constant 4 : i32
      %swap3A_127 = arith.index_cast %swap3A_126 : i32 to index
      %swap3A_128 = arith.constant 0 : index
      %swap3A_129 = tpu.vector_load %arg21[%swap3A_127, %swap3A_128] {strides = array<i32>} : memref<8x16xf32, #tpu.memory_space<vmem>>, vector<16xf32>,
      tpu.vector_store %arg21[%swap3A_127, %swap3A_128], %broadcast_in_dim3A_125 {strides = array<i32>} : memref<8x16xf32, #tpu.memory_space<vmem>>, vector<16xf32>,
      %broadcast_in_dim3A_130 = arith.constant 0.000000e+00 : f32
      %broadcast_in_dim3A_131 = vector.broadcast %broadcast_in_dim3A_130 : f32 to vector<16xf32>
      %swap3A_132 = arith.constant 5 : i32
      %swap3A_133 = arith.index_cast %swap3A_132 : i32 to index
      %swap3A_134 = arith.constant 0 : index
      %swap3A_135 = tpu.vector_load %arg19[%swap3A_133, %swap3A_134] {strides = array<i32>} : memref<8x16xf32, #tpu.memory_space<vmem>>, vector<16xf32>,
      tpu.vector_store %arg19[%swap3A_133, %swap3A_134], %broadcast_in_dim3A_131 {strides = array<i32>} : memref<8x16xf32, #tpu.memory_space<vmem>>, vector<16xf32>,
      %broadcast_in_dim3A_136 = arith.constant 0.000000e+00 : f32
      %broadcast_in_dim3A_137 = vector.broadcast %broadcast_in_dim3A_136 : f32 to vector<16xf32>
      %swap3A_138 = arith.constant 5 : i32
      %swap3A_139 = arith.index_cast %swap3A_138 : i32 to index
      %swap3A_140 = arith.constant 0 : index
      %swap3A_141 = tpu.vector_load %arg20[%swap3A_139, %swap3A_140] {strides = array<i32>} : memref<8x16xf32, #tpu.memory_space<vmem>>, vector<16xf32>,
      tpu.vector_store %arg20[%swap3A_139, %swap3A_140], %broadcast_in_dim3A_137 {strides = array<i32>} : memref<8x16xf32, #tpu.memory_space<vmem>>, vector<16xf32>,
      %broadcast_in_dim3A_142 = arith.constant 0.000000e+00 : f32
      %broadcast_in_dim3A_143 = vector.broadcast %broadcast_in_dim3A_142 : f32 to vector<16xf32>
      %swap3A_144 = arith.constant 5 : i32
      %swap3A_145 = arith.index_cast %swap3A_144 : i32 to index
      %swap3A_146 = arith.constant 0 : index
      %swap3A_147 = tpu.vector_load %arg21[%swap3A_145, %swap3A_146] {strides = array<i32>} : memref<8x16xf32, #tpu.memory_space<vmem>>, vector<16xf32>,
      tpu.vector_store %arg21[%swap3A_145, %swap3A_146], %broadcast_in_dim3A_143 {strides = array<i32>} : memref<8x16xf32, #tpu.memory_space<vmem>>, vector<16xf32>,
      %broadcast_in_dim3A_148 = arith.constant 0.000000e+00 : f32
      %broadcast_in_dim3A_149 = vector.broadcast %broadcast_in_dim3A_148 : f32 to vector<16xf32>
      %swap3A_150 = arith.constant 6 : i32
      %swap3A_151 = arith.index_cast %swap3A_150 : i32 to index
      %swap3A_152 = arith.constant 0 : index
      %swap3A_153 = tpu.vector_load %arg19[%swap3A_151, %swap3A_152] {strides = array<i32>} : memref<8x16xf32, #tpu.memory_space<vmem>>, vector<16xf32>,
      tpu.vector_store %arg19[%swap3A_151, %swap3A_152], %broadcast_in_dim3A_149 {strides = array<i32>} : memref<8x16xf32, #tpu.memory_space<vmem>>, vector<16xf32>,
      %broadcast_in_dim3A_154 = arith.constant 0.000000e+00 : f32
      %broadcast_in_dim3A_155 = vector.broadcast %broadcast_in_dim3A_154 : f32 to vector<16xf32>
      %swap3A_156 = arith.constant 6 : i32
      %swap3A_157 = arith.index_cast %swap3A_156 : i32 to index
      %swap3A_158 = arith.constant 0 : index
      %swap3A_159 = tpu.vector_load %arg20[%swap3A_157, %swap3A_158] {strides = array<i32>} : memref<8x16xf32, #tpu.memory_space<vmem>>, vector<16xf32>,
      tpu.vector_store %arg20[%swap3A_157, %swap3A_158], %broadcast_in_dim3A_155 {strides = array<i32>} : memref<8x16xf32, #tpu.memory_space<vmem>>, vector<16xf32>,
      %broadcast_in_dim3A_160 = arith.constant 0.000000e+00 : f32
      %broadcast_in_dim3A_161 = vector.broadcast %broadcast_in_dim3A_160 : f32 to vector<16xf32>
      %swap3A_162 = arith.constant 6 : i32
      %swap3A_163 = arith.index_cast %swap3A_162 : i32 to index
      %swap3A_164 = arith.constant 0 : index
      %swap3A_165 = tpu.vector_load %arg21[%swap3A_163, %swap3A_164] {strides = array<i32>} : memref<8x16xf32, #tpu.memory_space<vmem>>, vector<16xf32>,
      tpu.vector_store %arg21[%swap3A_163, %swap3A_164], %broadcast_in_dim3A_161 {strides = array<i32>} : memref<8x16xf32, #tpu.memory_space<vmem>>, vector<16xf32>,
      %broadcast_in_dim3A_166 = arith.constant 0.000000e+00 : f32
      %broadcast_in_dim3A_167 = vector.broadcast %broadcast_in_dim3A_166 : f32 to vector<16xf32>
      %swap3A_168 = arith.constant 7 : i32
      %swap3A_169 = arith.index_cast %swap3A_168 : i32 to index
      %swap3A_170 = arith.constant 0 : index
      %swap3A_171 = tpu.vector_load %arg19[%swap3A_169, %swap3A_170] {strides = array<i32>} : memref<8x16xf32, #tpu.memory_space<vmem>>, vector<16xf32>,
      tpu.vector_store %arg19[%swap3A_169, %swap3A_170], %broadcast_in_dim3A_167 {strides = array<i32>} : memref<8x16xf32, #tpu.memory_space<vmem>>, vector<16xf32>,
      %broadcast_in_dim3A_172 = arith.constant 0.000000e+00 : f32
      %broadcast_in_dim3A_173 = vector.broadcast %broadcast_in_dim3A_172 : f32 to vector<16xf32>
      %swap3A_174 = arith.constant 7 : i32
      %swap3A_175 = arith.index_cast %swap3A_174 : i32 to index
      %swap3A_176 = arith.constant 0 : index
      %swap3A_177 = tpu.vector_load %arg20[%swap3A_175, %swap3A_176] {strides = array<i32>} : memref<8x16xf32, #tpu.memory_space<vmem>>, vector<16xf32>,
      tpu.vector_store %arg20[%swap3A_175, %swap3A_176], %broadcast_in_dim3A_173 {strides = array<i32>} : memref<8x16xf32, #tpu.memory_space<vmem>>, vector<16xf32>,
      %broadcast_in_dim3A_178 = arith.constant 0.000000e+00 : f32
      %broadcast_in_dim3A_179 = vector.broadcast %broadcast_in_dim3A_178 : f32 to vector<16xf32>
      %swap3A_180 = arith.constant 7 : i32
      %swap3A_181 = arith.index_cast %swap3A_180 : i32 to index
      %swap3A_182 = arith.constant 0 : index
      %swap3A_183 = tpu.vector_load %arg21[%swap3A_181, %swap3A_182] {strides = array<i32>} : memref<8x16xf32, #tpu.memory_space<vmem>>, vector<16xf32>,
      tpu.vector_store %arg21[%swap3A_181, %swap3A_182], %broadcast_in_dim3A_179 {strides = array<i32>} : memref<8x16xf32, #tpu.memory_space<vmem>>, vector<16xf32>,
      %broadcast_in_dim3A_184 = arith.constant 1.000000e+00 : f32
      %broadcast_in_dim3A_185 = vector.broadcast %broadcast_in_dim3A_184 : f32 to vector<16xf32>
      %broadcast_in_dim3A_186 = arith.constant 0.000000e+00 : f32
      %broadcast_in_dim3A_187 = vector.broadcast %broadcast_in_dim3A_186 : f32 to vector<16xf32>
      %add3A_188 = vector.broadcast %add3A : i32 to vector<16xi32>
      %add3A_189 = arith.addi %broadcast_in_dim3A_35, %add3A_188 : vector<16xi32>
      %eq3A = arith.constant 0 : i32
      %eq3A_190 = vector.broadcast %eq3A : i32 to vector<16xi32>
      %eq3A_191 = arith.cmpi eq, %add3A_189, %eq3A_190 : vector<16xi32>
      %scan3A = arith.constant 0 : i32
      %scan3A_192 = arith.constant 3.000000e+38 : f32
      %scan3A_193 = arith.constant 0 : i32
      %scan3A_194 = arith.constant 32 : i32
      %scan3A_195 = arith.addi %scan3A_193, %scan3A_194 : i32
      %scan3A_196 = arith.constant 1 : i32
      scf.for %scan3A_789 = %scan3A_193 to %scan3A_195 step %scan3A_196  : i32 {
        %mul3A_790 = arith.constant 2 : i32
        %mul3A_791 = arith.muli %mul3A_790, %scan3A_789 : i32
        %add3A_792 = arith.constant 1 : i32
        %add3A_793 = arith.addi %mul3A_791, %add3A_792 : i32
        %mul3A_794 = arith.constant 2 : i32
        %mul3A_795 = arith.muli %mul3A_794, %scan3A_789 : i32
        %add3A_796 = arith.constant 1 : i32
        %add3A_797 = arith.addi %mul3A_795, %add3A_796 : i32
        %broadcast_in_dim3A_798 = vector.broadcast %mul3A_795 : i32 to vector<16xi32>
        %broadcast_in_dim3A_799 = vector.broadcast %add3A_797 : i32 to vector<16xi32>
        %select_n3A = arith.select %lt3A_40, %broadcast_in_dim3A_798, %broadcast_in_dim3A_799 : vector<16xi1>, vector<16xi32>
        %gather3A_800 = tpu.vector_load_idx %arg12[%and3A_37, %select_n3A] : memref<8x64xf32, #tpu.memory_space<vmem>>[vector<16xi32>, vector<16xi32>], vector<16xf32>,
        %gather3A_801 = tpu.vector_load_idx %arg13[%select_n3A, %broadcast_in_dim3A_35] : memref<64x1xf32, #tpu.memory_space<vmem>>[vector<16xi32>, vector<16xi32>], vector<16xf32>,
        %add3A_802 = arith.addf %gather3A_801, %gather3A : vector<16xf32>
        %mul3A_803 = arith.constant 2.000000e+00 : f32
        %mul3A_804 = vector.broadcast %mul3A_803 : f32 to vector<16xf32>
        %mul3A_805 = arith.mulf %mul3A_804, %gather3A_800 : vector<16xf32>
        %sub3A_806 = arith.subf %add3A_802, %mul3A_805 : vector<16xf32>
        %abs3A = math.absf %sub3A_806 : vector<16xf32>
        %broadcast_in_dim3A_807 = vector.broadcast %scan3A_192 : f32 to vector<16xf32>
        %select_n3A_808 = arith.select %lt3A_40, %abs3A, %broadcast_in_dim3A_807 : vector<16xi1>, vector<16xf32>
        %reduce_min3A = arith.constant true
        %reduce_min3A_809 = vector.broadcast %reduce_min3A : i1 to vector<16xi1>
        %reduce_min3A_810 = tpu.scan <min>, %select_n3A_808 masked %reduce_min3A_809 : vector<16xf32>, vector<16xi1> -> vector<16xf32>
        %reduce_min3A_811 = vector.extract %reduce_min3A_810[15] : f32 from vector<16xf32>
        %eq3A_812 = vector.broadcast %reduce_min3A_811 : f32 to vector<16xf32>
        %eq3A_813 = arith.cmpf oeq, %select_n3A_808, %eq3A_812 : vector<16xf32>
        %all_reduce_ffs3A = tpu.all_reduce %eq3A_813 {dim = 0 : i64, kind = #tpu.reduction_kind<find_first_set>} : vector<16xi1> -> vector<16xi32>
        %broadcast_in_dim3A_814 = vector.broadcast %scan3A_192 : f32 to vector<16xf32>
        %select_n3A_815 = arith.select %lt3A_40, %broadcast_in_dim3A_814, %abs3A : vector<16xi1>, vector<16xf32>
        %reduce_min3A_816 = arith.constant true
        %reduce_min3A_817 = vector.broadcast %reduce_min3A_816 : i1 to vector<16xi1>
        %reduce_min3A_818 = tpu.scan <min>, %select_n3A_815 masked %reduce_min3A_817 : vector<16xf32>, vector<16xi1> -> vector<16xf32>
        %reduce_min3A_819 = vector.extract %reduce_min3A_818[15] : f32 from vector<16xf32>
        %eq3A_820 = vector.broadcast %reduce_min3A_819 : f32 to vector<16xf32>
        %eq3A_821 = arith.cmpf oeq, %select_n3A_815, %eq3A_820 : vector<16xf32>
        %all_reduce_ffs3A_822 = tpu.all_reduce %eq3A_821 {dim = 0 : i64, kind = #tpu.reduction_kind<find_first_set>} : vector<16xi1> -> vector<16xi32>
        %sub3A_823 = arith.constant 8 : i32
        %sub3A_824 = vector.broadcast %sub3A_823 : i32 to vector<16xi32>
        %sub3A_825 = arith.subi %all_reduce_ffs3A_822, %sub3A_824 : vector<16xi32>
        %add3A_826 = vector.broadcast %mul3A_791 : i32 to vector<16xi32>
        %add3A_827 = arith.addi %broadcast_in_dim3A_35, %add3A_826 : vector<16xi32>
        %add3A_828 = vector.broadcast %add3A_793 : i32 to vector<16xi32>
        %add3A_829 = arith.addi %broadcast_in_dim3A_35, %add3A_828 : vector<16xi32>
        %gather3A_830 = tpu.vector_load_idx %arg15[%iota3A, %add3A_827] : memref<16x64xf32, #tpu.memory_space<vmem>>[vector<16xi32>, vector<16xi32>], vector<16xf32>,
        %gather3A_831 = tpu.vector_load_idx %arg15[%iota3A, %add3A_829] : memref<16x64xf32, #tpu.memory_space<vmem>>[vector<16xi32>, vector<16xi32>], vector<16xf32>,
        %gather3A_832 = tpu.vector_load_idx %arg16[%iota3A, %add3A_827] : memref<16x64xf32, #tpu.memory_space<vmem>>[vector<16xi32>, vector<16xi32>], vector<16xf32>,
        %gather3A_833 = tpu.vector_load_idx %arg16[%iota3A, %add3A_829] : memref<16x64xf32, #tpu.memory_space<vmem>>[vector<16xi32>, vector<16xi32>], vector<16xf32>,
        %eq3A_834 = arith.constant 0 : i32
        %eq3A_835 = vector.broadcast %eq3A_834 : i32 to vector<16xi32>
        %eq3A_836 = arith.cmpi eq, %all_reduce_ffs3A, %eq3A_835 : vector<16xi32>
        %select_n3A_837 = arith.select %eq3A_836, %broadcast_in_dim3A_185, %broadcast_in_dim3A_187 : vector<16xi1>, vector<16xf32>
        %eq3A_838 = arith.constant 0 : i32
        %eq3A_839 = vector.broadcast %eq3A_838 : i32 to vector<16xi32>
        %eq3A_840 = arith.cmpi eq, %sub3A_825, %eq3A_839 : vector<16xi32>
        %select_n3A_841 = arith.select %eq3A_840, %broadcast_in_dim3A_185, %broadcast_in_dim3A_187 : vector<16xi1>, vector<16xf32>
        %get3A_842 = arith.constant 0 : i32
        %get3A_843 = arith.index_cast %get3A_842 : i32 to index
        %get3A_844 = arith.constant 0 : index
        %get3A_845 = tpu.vector_load %arg19[%get3A_843, %get3A_844] {strides = array<i32>} : memref<8x16xf32, #tpu.memory_space<vmem>>, vector<16xf32>,
        %mul3A_846 = arith.mulf %gather3A_830, %select_n3A_837 : vector<16xf32>
        %add3A_847 = arith.addf %get3A_845, %mul3A_846 : vector<16xf32>
        %mul3A_848 = arith.mulf %gather3A_831, %select_n3A_841 : vector<16xf32>
        %add3A_849 = arith.addf %add3A_847, %mul3A_848 : vector<16xf32>
        %swap3A_850 = arith.constant 0 : i32
        %swap3A_851 = arith.index_cast %swap3A_850 : i32 to index
        %swap3A_852 = arith.constant 0 : index
        %swap3A_853 = tpu.vector_load %arg19[%swap3A_851, %swap3A_852] {strides = array<i32>} : memref<8x16xf32, #tpu.memory_space<vmem>>, vector<16xf32>,
        tpu.vector_store %arg19[%swap3A_851, %swap3A_852], %add3A_849 {strides = array<i32>} : memref<8x16xf32, #tpu.memory_space<vmem>>, vector<16xf32>,
        %get3A_854 = arith.constant 0 : i32
        %get3A_855 = arith.index_cast %get3A_854 : i32 to index
        %get3A_856 = arith.constant 0 : index
        %get3A_857 = tpu.vector_load %arg20[%get3A_855, %get3A_856] {strides = array<i32>} : memref<8x16xf32, #tpu.memory_space<vmem>>, vector<16xf32>,
        %mul3A_858 = arith.mulf %gather3A_832, %select_n3A_837 : vector<16xf32>
        %add3A_859 = arith.addf %get3A_857, %mul3A_858 : vector<16xf32>
        %mul3A_860 = arith.mulf %gather3A_833, %select_n3A_841 : vector<16xf32>
        %add3A_861 = arith.addf %add3A_859, %mul3A_860 : vector<16xf32>
        %swap3A_862 = arith.constant 0 : i32
        %swap3A_863 = arith.index_cast %swap3A_862 : i32 to index
        %swap3A_864 = arith.constant 0 : index
        %swap3A_865 = tpu.vector_load %arg20[%swap3A_863, %swap3A_864] {strides = array<i32>} : memref<8x16xf32, #tpu.memory_space<vmem>>, vector<16xf32>,
        tpu.vector_store %arg20[%swap3A_863, %swap3A_864], %add3A_861 {strides = array<i32>} : memref<8x16xf32, #tpu.memory_space<vmem>>, vector<16xf32>,
        %get3A_866 = arith.constant 0 : i32
        %get3A_867 = arith.index_cast %get3A_866 : i32 to index
        %get3A_868 = arith.constant 0 : index
        %get3A_869 = tpu.vector_load %arg21[%get3A_867, %get3A_868] {strides = array<i32>} : memref<8x16xf32, #tpu.memory_space<vmem>>, vector<16xf32>,
        %add3A_870 = arith.addf %get3A_869, %select_n3A_837 : vector<16xf32>
        %add3A_871 = arith.addf %add3A_870, %select_n3A_841 : vector<16xf32>
        %swap3A_872 = arith.constant 0 : i32
        %swap3A_873 = arith.index_cast %swap3A_872 : i32 to index
        %swap3A_874 = arith.constant 0 : index
        %swap3A_875 = tpu.vector_load %arg21[%swap3A_873, %swap3A_874] {strides = array<i32>} : memref<8x16xf32, #tpu.memory_space<vmem>>, vector<16xf32>,
        tpu.vector_store %arg21[%swap3A_873, %swap3A_874], %add3A_871 {strides = array<i32>} : memref<8x16xf32, #tpu.memory_space<vmem>>, vector<16xf32>,
        %eq3A_876 = arith.constant 1 : i32
        %eq3A_877 = vector.broadcast %eq3A_876 : i32 to vector<16xi32>
        %eq3A_878 = arith.cmpi eq, %all_reduce_ffs3A, %eq3A_877 : vector<16xi32>
        %select_n3A_879 = arith.select %eq3A_878, %broadcast_in_dim3A_185, %broadcast_in_dim3A_187 : vector<16xi1>, vector<16xf32>
        %eq3A_880 = arith.constant 1 : i32
        %eq3A_881 = vector.broadcast %eq3A_880 : i32 to vector<16xi32>
        %eq3A_882 = arith.cmpi eq, %sub3A_825, %eq3A_881 : vector<16xi32>
        %select_n3A_883 = arith.select %eq3A_882, %broadcast_in_dim3A_185, %broadcast_in_dim3A_187 : vector<16xi1>, vector<16xf32>
        %get3A_884 = arith.constant 1 : i32
        %get3A_885 = arith.index_cast %get3A_884 : i32 to index
        %get3A_886 = arith.constant 0 : index
        %get3A_887 = tpu.vector_load %arg19[%get3A_885, %get3A_886] {strides = array<i32>} : memref<8x16xf32, #tpu.memory_space<vmem>>, vector<16xf32>,
        %mul3A_888 = arith.mulf %gather3A_830, %select_n3A_879 : vector<16xf32>
        %add3A_889 = arith.addf %get3A_887, %mul3A_888 : vector<16xf32>
        %mul3A_890 = arith.mulf %gather3A_831, %select_n3A_883 : vector<16xf32>
        %add3A_891 = arith.addf %add3A_889, %mul3A_890 : vector<16xf32>
        %swap3A_892 = arith.constant 1 : i32
        %swap3A_893 = arith.index_cast %swap3A_892 : i32 to index
        %swap3A_894 = arith.constant 0 : index
        %swap3A_895 = tpu.vector_load %arg19[%swap3A_893, %swap3A_894] {strides = array<i32>} : memref<8x16xf32, #tpu.memory_space<vmem>>, vector<16xf32>,
        tpu.vector_store %arg19[%swap3A_893, %swap3A_894], %add3A_891 {strides = array<i32>} : memref<8x16xf32, #tpu.memory_space<vmem>>, vector<16xf32>,
        %get3A_896 = arith.constant 1 : i32
        %get3A_897 = arith.index_cast %get3A_896 : i32 to index
        %get3A_898 = arith.constant 0 : index
        %get3A_899 = tpu.vector_load %arg20[%get3A_897, %get3A_898] {strides = array<i32>} : memref<8x16xf32, #tpu.memory_space<vmem>>, vector<16xf32>,
        %mul3A_900 = arith.mulf %gather3A_832, %select_n3A_879 : vector<16xf32>
        %add3A_901 = arith.addf %get3A_899, %mul3A_900 : vector<16xf32>
        %mul3A_902 = arith.mulf %gather3A_833, %select_n3A_883 : vector<16xf32>
        %add3A_903 = arith.addf %add3A_901, %mul3A_902 : vector<16xf32>
        %swap3A_904 = arith.constant 1 : i32
        %swap3A_905 = arith.index_cast %swap3A_904 : i32 to index
        %swap3A_906 = arith.constant 0 : index
        %swap3A_907 = tpu.vector_load %arg20[%swap3A_905, %swap3A_906] {strides = array<i32>} : memref<8x16xf32, #tpu.memory_space<vmem>>, vector<16xf32>,
        tpu.vector_store %arg20[%swap3A_905, %swap3A_906], %add3A_903 {strides = array<i32>} : memref<8x16xf32, #tpu.memory_space<vmem>>, vector<16xf32>,
        %get3A_908 = arith.constant 1 : i32
        %get3A_909 = arith.index_cast %get3A_908 : i32 to index
        %get3A_910 = arith.constant 0 : index
        %get3A_911 = tpu.vector_load %arg21[%get3A_909, %get3A_910] {strides = array<i32>} : memref<8x16xf32, #tpu.memory_space<vmem>>, vector<16xf32>,
        %add3A_912 = arith.addf %get3A_911, %select_n3A_879 : vector<16xf32>
        %add3A_913 = arith.addf %add3A_912, %select_n3A_883 : vector<16xf32>
        %swap3A_914 = arith.constant 1 : i32
        %swap3A_915 = arith.index_cast %swap3A_914 : i32 to index
        %swap3A_916 = arith.constant 0 : index
        %swap3A_917 = tpu.vector_load %arg21[%swap3A_915, %swap3A_916] {strides = array<i32>} : memref<8x16xf32, #tpu.memory_space<vmem>>, vector<16xf32>,
        tpu.vector_store %arg21[%swap3A_915, %swap3A_916], %add3A_913 {strides = array<i32>} : memref<8x16xf32, #tpu.memory_space<vmem>>, vector<16xf32>,
        %eq3A_918 = arith.constant 2 : i32
        %eq3A_919 = vector.broadcast %eq3A_918 : i32 to vector<16xi32>
        %eq3A_920 = arith.cmpi eq, %all_reduce_ffs3A, %eq3A_919 : vector<16xi32>
        %select_n3A_921 = arith.select %eq3A_920, %broadcast_in_dim3A_185, %broadcast_in_dim3A_187 : vector<16xi1>, vector<16xf32>
        %eq3A_922 = arith.constant 2 : i32
        %eq3A_923 = vector.broadcast %eq3A_922 : i32 to vector<16xi32>
        %eq3A_924 = arith.cmpi eq, %sub3A_825, %eq3A_923 : vector<16xi32>
        %select_n3A_925 = arith.select %eq3A_924, %broadcast_in_dim3A_185, %broadcast_in_dim3A_187 : vector<16xi1>, vector<16xf32>
        %get3A_926 = arith.constant 2 : i32
        %get3A_927 = arith.index_cast %get3A_926 : i32 to index
        %get3A_928 = arith.constant 0 : index
        %get3A_929 = tpu.vector_load %arg19[%get3A_927, %get3A_928] {strides = array<i32>} : memref<8x16xf32, #tpu.memory_space<vmem>>, vector<16xf32>,
        %mul3A_930 = arith.mulf %gather3A_830, %select_n3A_921 : vector<16xf32>
        %add3A_931 = arith.addf %get3A_929, %mul3A_930 : vector<16xf32>
        %mul3A_932 = arith.mulf %gather3A_831, %select_n3A_925 : vector<16xf32>
        %add3A_933 = arith.addf %add3A_931, %mul3A_932 : vector<16xf32>
        %swap3A_934 = arith.constant 2 : i32
        %swap3A_935 = arith.index_cast %swap3A_934 : i32 to index
        %swap3A_936 = arith.constant 0 : index
        %swap3A_937 = tpu.vector_load %arg19[%swap3A_935, %swap3A_936] {strides = array<i32>} : memref<8x16xf32, #tpu.memory_space<vmem>>, vector<16xf32>,
        tpu.vector_store %arg19[%swap3A_935, %swap3A_936], %add3A_933 {strides = array<i32>} : memref<8x16xf32, #tpu.memory_space<vmem>>, vector<16xf32>,
        %get3A_938 = arith.constant 2 : i32
        %get3A_939 = arith.index_cast %get3A_938 : i32 to index
        %get3A_940 = arith.constant 0 : index
        %get3A_941 = tpu.vector_load %arg20[%get3A_939, %get3A_940] {strides = array<i32>} : memref<8x16xf32, #tpu.memory_space<vmem>>, vector<16xf32>,
        %mul3A_942 = arith.mulf %gather3A_832, %select_n3A_921 : vector<16xf32>
        %add3A_943 = arith.addf %get3A_941, %mul3A_942 : vector<16xf32>
        %mul3A_944 = arith.mulf %gather3A_833, %select_n3A_925 : vector<16xf32>
        %add3A_945 = arith.addf %add3A_943, %mul3A_944 : vector<16xf32>
        %swap3A_946 = arith.constant 2 : i32
        %swap3A_947 = arith.index_cast %swap3A_946 : i32 to index
        %swap3A_948 = arith.constant 0 : index
        %swap3A_949 = tpu.vector_load %arg20[%swap3A_947, %swap3A_948] {strides = array<i32>} : memref<8x16xf32, #tpu.memory_space<vmem>>, vector<16xf32>,
        tpu.vector_store %arg20[%swap3A_947, %swap3A_948], %add3A_945 {strides = array<i32>} : memref<8x16xf32, #tpu.memory_space<vmem>>, vector<16xf32>,
        %get3A_950 = arith.constant 2 : i32
        %get3A_951 = arith.index_cast %get3A_950 : i32 to index
        %get3A_952 = arith.constant 0 : index
        %get3A_953 = tpu.vector_load %arg21[%get3A_951, %get3A_952] {strides = array<i32>} : memref<8x16xf32, #tpu.memory_space<vmem>>, vector<16xf32>,
        %add3A_954 = arith.addf %get3A_953, %select_n3A_921 : vector<16xf32>
        %add3A_955 = arith.addf %add3A_954, %select_n3A_925 : vector<16xf32>
        %swap3A_956 = arith.constant 2 : i32
        %swap3A_957 = arith.index_cast %swap3A_956 : i32 to index
        %swap3A_958 = arith.constant 0 : index
        %swap3A_959 = tpu.vector_load %arg21[%swap3A_957, %swap3A_958] {strides = array<i32>} : memref<8x16xf32, #tpu.memory_space<vmem>>, vector<16xf32>,
        tpu.vector_store %arg21[%swap3A_957, %swap3A_958], %add3A_955 {strides = array<i32>} : memref<8x16xf32, #tpu.memory_space<vmem>>, vector<16xf32>,
        %eq3A_960 = arith.constant 3 : i32
        %eq3A_961 = vector.broadcast %eq3A_960 : i32 to vector<16xi32>
        %eq3A_962 = arith.cmpi eq, %all_reduce_ffs3A, %eq3A_961 : vector<16xi32>
        %select_n3A_963 = arith.select %eq3A_962, %broadcast_in_dim3A_185, %broadcast_in_dim3A_187 : vector<16xi1>, vector<16xf32>
        %eq3A_964 = arith.constant 3 : i32
        %eq3A_965 = vector.broadcast %eq3A_964 : i32 to vector<16xi32>
        %eq3A_966 = arith.cmpi eq, %sub3A_825, %eq3A_965 : vector<16xi32>
        %select_n3A_967 = arith.select %eq3A_966, %broadcast_in_dim3A_185, %broadcast_in_dim3A_187 : vector<16xi1>, vector<16xf32>
        %get3A_968 = arith.constant 3 : i32
        %get3A_969 = arith.index_cast %get3A_968 : i32 to index
        %get3A_970 = arith.constant 0 : index
        %get3A_971 = tpu.vector_load %arg19[%get3A_969, %get3A_970] {strides = array<i32>} : memref<8x16xf32, #tpu.memory_space<vmem>>, vector<16xf32>,
        %mul3A_972 = arith.mulf %gather3A_830, %select_n3A_963 : vector<16xf32>
        %add3A_973 = arith.addf %get3A_971, %mul3A_972 : vector<16xf32>
        %mul3A_974 = arith.mulf %gather3A_831, %select_n3A_967 : vector<16xf32>
        %add3A_975 = arith.addf %add3A_973, %mul3A_974 : vector<16xf32>
        %swap3A_976 = arith.constant 3 : i32
        %swap3A_977 = arith.index_cast %swap3A_976 : i32 to index
        %swap3A_978 = arith.constant 0 : index
        %swap3A_979 = tpu.vector_load %arg19[%swap3A_977, %swap3A_978] {strides = array<i32>} : memref<8x16xf32, #tpu.memory_space<vmem>>, vector<16xf32>,
        tpu.vector_store %arg19[%swap3A_977, %swap3A_978], %add3A_975 {strides = array<i32>} : memref<8x16xf32, #tpu.memory_space<vmem>>, vector<16xf32>,
        %get3A_980 = arith.constant 3 : i32
        %get3A_981 = arith.index_cast %get3A_980 : i32 to index
        %get3A_982 = arith.constant 0 : index
        %get3A_983 = tpu.vector_load %arg20[%get3A_981, %get3A_982] {strides = array<i32>} : memref<8x16xf32, #tpu.memory_space<vmem>>, vector<16xf32>,
        %mul3A_984 = arith.mulf %gather3A_832, %select_n3A_963 : vector<16xf32>
        %add3A_985 = arith.addf %get3A_983, %mul3A_984 : vector<16xf32>
        %mul3A_986 = arith.mulf %gather3A_833, %select_n3A_967 : vector<16xf32>
        %add3A_987 = arith.addf %add3A_985, %mul3A_986 : vector<16xf32>
        %swap3A_988 = arith.constant 3 : i32
        %swap3A_989 = arith.index_cast %swap3A_988 : i32 to index
        %swap3A_990 = arith.constant 0 : index
        %swap3A_991 = tpu.vector_load %arg20[%swap3A_989, %swap3A_990] {strides = array<i32>} : memref<8x16xf32, #tpu.memory_space<vmem>>, vector<16xf32>,
        tpu.vector_store %arg20[%swap3A_989, %swap3A_990], %add3A_987 {strides = array<i32>} : memref<8x16xf32, #tpu.memory_space<vmem>>, vector<16xf32>,
        %get3A_992 = arith.constant 3 : i32
        %get3A_993 = arith.index_cast %get3A_992 : i32 to index
        %get3A_994 = arith.constant 0 : index
        %get3A_995 = tpu.vector_load %arg21[%get3A_993, %get3A_994] {strides = array<i32>} : memref<8x16xf32, #tpu.memory_space<vmem>>, vector<16xf32>,
        %add3A_996 = arith.addf %get3A_995, %select_n3A_963 : vector<16xf32>
        %add3A_997 = arith.addf %add3A_996, %select_n3A_967 : vector<16xf32>
        %swap3A_998 = arith.constant 3 : i32
        %swap3A_999 = arith.index_cast %swap3A_998 : i32 to index
        %swap3A_1000 = arith.constant 0 : index
        %swap3A_1001 = tpu.vector_load %arg21[%swap3A_999, %swap3A_1000] {strides = array<i32>} : memref<8x16xf32, #tpu.memory_space<vmem>>, vector<16xf32>,
        tpu.vector_store %arg21[%swap3A_999, %swap3A_1000], %add3A_997 {strides = array<i32>} : memref<8x16xf32, #tpu.memory_space<vmem>>, vector<16xf32>,
        %eq3A_1002 = arith.constant 4 : i32
        %eq3A_1003 = vector.broadcast %eq3A_1002 : i32 to vector<16xi32>
        %eq3A_1004 = arith.cmpi eq, %all_reduce_ffs3A, %eq3A_1003 : vector<16xi32>
        %select_n3A_1005 = arith.select %eq3A_1004, %broadcast_in_dim3A_185, %broadcast_in_dim3A_187 : vector<16xi1>, vector<16xf32>
        %eq3A_1006 = arith.constant 4 : i32
        %eq3A_1007 = vector.broadcast %eq3A_1006 : i32 to vector<16xi32>
        %eq3A_1008 = arith.cmpi eq, %sub3A_825, %eq3A_1007 : vector<16xi32>
        %select_n3A_1009 = arith.select %eq3A_1008, %broadcast_in_dim3A_185, %broadcast_in_dim3A_187 : vector<16xi1>, vector<16xf32>
        %get3A_1010 = arith.constant 4 : i32
        %get3A_1011 = arith.index_cast %get3A_1010 : i32 to index
        %get3A_1012 = arith.constant 0 : index
        %get3A_1013 = tpu.vector_load %arg19[%get3A_1011, %get3A_1012] {strides = array<i32>} : memref<8x16xf32, #tpu.memory_space<vmem>>, vector<16xf32>,
        %mul3A_1014 = arith.mulf %gather3A_830, %select_n3A_1005 : vector<16xf32>
        %add3A_1015 = arith.addf %get3A_1013, %mul3A_1014 : vector<16xf32>
        %mul3A_1016 = arith.mulf %gather3A_831, %select_n3A_1009 : vector<16xf32>
        %add3A_1017 = arith.addf %add3A_1015, %mul3A_1016 : vector<16xf32>
        %swap3A_1018 = arith.constant 4 : i32
        %swap3A_1019 = arith.index_cast %swap3A_1018 : i32 to index
        %swap3A_1020 = arith.constant 0 : index
        %swap3A_1021 = tpu.vector_load %arg19[%swap3A_1019, %swap3A_1020] {strides = array<i32>} : memref<8x16xf32, #tpu.memory_space<vmem>>, vector<16xf32>,
        tpu.vector_store %arg19[%swap3A_1019, %swap3A_1020], %add3A_1017 {strides = array<i32>} : memref<8x16xf32, #tpu.memory_space<vmem>>, vector<16xf32>,
        %get3A_1022 = arith.constant 4 : i32
        %get3A_1023 = arith.index_cast %get3A_1022 : i32 to index
        %get3A_1024 = arith.constant 0 : index
        %get3A_1025 = tpu.vector_load %arg20[%get3A_1023, %get3A_1024] {strides = array<i32>} : memref<8x16xf32, #tpu.memory_space<vmem>>, vector<16xf32>,
        %mul3A_1026 = arith.mulf %gather3A_832, %select_n3A_1005 : vector<16xf32>
        %add3A_1027 = arith.addf %get3A_1025, %mul3A_1026 : vector<16xf32>
        %mul3A_1028 = arith.mulf %gather3A_833, %select_n3A_1009 : vector<16xf32>
        %add3A_1029 = arith.addf %add3A_1027, %mul3A_1028 : vector<16xf32>
        %swap3A_1030 = arith.constant 4 : i32
        %swap3A_1031 = arith.index_cast %swap3A_1030 : i32 to index
        %swap3A_1032 = arith.constant 0 : index
        %swap3A_1033 = tpu.vector_load %arg20[%swap3A_1031, %swap3A_1032] {strides = array<i32>} : memref<8x16xf32, #tpu.memory_space<vmem>>, vector<16xf32>,
        tpu.vector_store %arg20[%swap3A_1031, %swap3A_1032], %add3A_1029 {strides = array<i32>} : memref<8x16xf32, #tpu.memory_space<vmem>>, vector<16xf32>,
        %get3A_1034 = arith.constant 4 : i32
        %get3A_1035 = arith.index_cast %get3A_1034 : i32 to index
        %get3A_1036 = arith.constant 0 : index
        %get3A_1037 = tpu.vector_load %arg21[%get3A_1035, %get3A_1036] {strides = array<i32>} : memref<8x16xf32, #tpu.memory_space<vmem>>, vector<16xf32>,
        %add3A_1038 = arith.addf %get3A_1037, %select_n3A_1005 : vector<16xf32>
        %add3A_1039 = arith.addf %add3A_1038, %select_n3A_1009 : vector<16xf32>
        %swap3A_1040 = arith.constant 4 : i32
        %swap3A_1041 = arith.index_cast %swap3A_1040 : i32 to index
        %swap3A_1042 = arith.constant 0 : index
        %swap3A_1043 = tpu.vector_load %arg21[%swap3A_1041, %swap3A_1042] {strides = array<i32>} : memref<8x16xf32, #tpu.memory_space<vmem>>, vector<16xf32>,
        tpu.vector_store %arg21[%swap3A_1041, %swap3A_1042], %add3A_1039 {strides = array<i32>} : memref<8x16xf32, #tpu.memory_space<vmem>>, vector<16xf32>,
        %eq3A_1044 = arith.constant 5 : i32
        %eq3A_1045 = vector.broadcast %eq3A_1044 : i32 to vector<16xi32>
        %eq3A_1046 = arith.cmpi eq, %all_reduce_ffs3A, %eq3A_1045 : vector<16xi32>
        %select_n3A_1047 = arith.select %eq3A_1046, %broadcast_in_dim3A_185, %broadcast_in_dim3A_187 : vector<16xi1>, vector<16xf32>
        %eq3A_1048 = arith.constant 5 : i32
        %eq3A_1049 = vector.broadcast %eq3A_1048 : i32 to vector<16xi32>
        %eq3A_1050 = arith.cmpi eq, %sub3A_825, %eq3A_1049 : vector<16xi32>
        %select_n3A_1051 = arith.select %eq3A_1050, %broadcast_in_dim3A_185, %broadcast_in_dim3A_187 : vector<16xi1>, vector<16xf32>
        %get3A_1052 = arith.constant 5 : i32
        %get3A_1053 = arith.index_cast %get3A_1052 : i32 to index
        %get3A_1054 = arith.constant 0 : index
        %get3A_1055 = tpu.vector_load %arg19[%get3A_1053, %get3A_1054] {strides = array<i32>} : memref<8x16xf32, #tpu.memory_space<vmem>>, vector<16xf32>,
        %mul3A_1056 = arith.mulf %gather3A_830, %select_n3A_1047 : vector<16xf32>
        %add3A_1057 = arith.addf %get3A_1055, %mul3A_1056 : vector<16xf32>
        %mul3A_1058 = arith.mulf %gather3A_831, %select_n3A_1051 : vector<16xf32>
        %add3A_1059 = arith.addf %add3A_1057, %mul3A_1058 : vector<16xf32>
        %swap3A_1060 = arith.constant 5 : i32
        %swap3A_1061 = arith.index_cast %swap3A_1060 : i32 to index
        %swap3A_1062 = arith.constant 0 : index
        %swap3A_1063 = tpu.vector_load %arg19[%swap3A_1061, %swap3A_1062] {strides = array<i32>} : memref<8x16xf32, #tpu.memory_space<vmem>>, vector<16xf32>,
        tpu.vector_store %arg19[%swap3A_1061, %swap3A_1062], %add3A_1059 {strides = array<i32>} : memref<8x16xf32, #tpu.memory_space<vmem>>, vector<16xf32>,
        %get3A_1064 = arith.constant 5 : i32
        %get3A_1065 = arith.index_cast %get3A_1064 : i32 to index
        %get3A_1066 = arith.constant 0 : index
        %get3A_1067 = tpu.vector_load %arg20[%get3A_1065, %get3A_1066] {strides = array<i32>} : memref<8x16xf32, #tpu.memory_space<vmem>>, vector<16xf32>,
        %mul3A_1068 = arith.mulf %gather3A_832, %select_n3A_1047 : vector<16xf32>
        %add3A_1069 = arith.addf %get3A_1067, %mul3A_1068 : vector<16xf32>
        %mul3A_1070 = arith.mulf %gather3A_833, %select_n3A_1051 : vector<16xf32>
        %add3A_1071 = arith.addf %add3A_1069, %mul3A_1070 : vector<16xf32>
        %swap3A_1072 = arith.constant 5 : i32
        %swap3A_1073 = arith.index_cast %swap3A_1072 : i32 to index
        %swap3A_1074 = arith.constant 0 : index
        %swap3A_1075 = tpu.vector_load %arg20[%swap3A_1073, %swap3A_1074] {strides = array<i32>} : memref<8x16xf32, #tpu.memory_space<vmem>>, vector<16xf32>,
        tpu.vector_store %arg20[%swap3A_1073, %swap3A_1074], %add3A_1071 {strides = array<i32>} : memref<8x16xf32, #tpu.memory_space<vmem>>, vector<16xf32>,
        %get3A_1076 = arith.constant 5 : i32
        %get3A_1077 = arith.index_cast %get3A_1076 : i32 to index
        %get3A_1078 = arith.constant 0 : index
        %get3A_1079 = tpu.vector_load %arg21[%get3A_1077, %get3A_1078] {strides = array<i32>} : memref<8x16xf32, #tpu.memory_space<vmem>>, vector<16xf32>,
        %add3A_1080 = arith.addf %get3A_1079, %select_n3A_1047 : vector<16xf32>
        %add3A_1081 = arith.addf %add3A_1080, %select_n3A_1051 : vector<16xf32>
        %swap3A_1082 = arith.constant 5 : i32
        %swap3A_1083 = arith.index_cast %swap3A_1082 : i32 to index
        %swap3A_1084 = arith.constant 0 : index
        %swap3A_1085 = tpu.vector_load %arg21[%swap3A_1083, %swap3A_1084] {strides = array<i32>} : memref<8x16xf32, #tpu.memory_space<vmem>>, vector<16xf32>,
        tpu.vector_store %arg21[%swap3A_1083, %swap3A_1084], %add3A_1081 {strides = array<i32>} : memref<8x16xf32, #tpu.memory_space<vmem>>, vector<16xf32>,
        %eq3A_1086 = arith.constant 6 : i32
        %eq3A_1087 = vector.broadcast %eq3A_1086 : i32 to vector<16xi32>
        %eq3A_1088 = arith.cmpi eq, %all_reduce_ffs3A, %eq3A_1087 : vector<16xi32>
        %select_n3A_1089 = arith.select %eq3A_1088, %broadcast_in_dim3A_185, %broadcast_in_dim3A_187 : vector<16xi1>, vector<16xf32>
        %eq3A_1090 = arith.constant 6 : i32
        %eq3A_1091 = vector.broadcast %eq3A_1090 : i32 to vector<16xi32>
        %eq3A_1092 = arith.cmpi eq, %sub3A_825, %eq3A_1091 : vector<16xi32>
        %select_n3A_1093 = arith.select %eq3A_1092, %broadcast_in_dim3A_185, %broadcast_in_dim3A_187 : vector<16xi1>, vector<16xf32>
        %get3A_1094 = arith.constant 6 : i32
        %get3A_1095 = arith.index_cast %get3A_1094 : i32 to index
        %get3A_1096 = arith.constant 0 : index
        %get3A_1097 = tpu.vector_load %arg19[%get3A_1095, %get3A_1096] {strides = array<i32>} : memref<8x16xf32, #tpu.memory_space<vmem>>, vector<16xf32>,
        %mul3A_1098 = arith.mulf %gather3A_830, %select_n3A_1089 : vector<16xf32>
        %add3A_1099 = arith.addf %get3A_1097, %mul3A_1098 : vector<16xf32>
        %mul3A_1100 = arith.mulf %gather3A_831, %select_n3A_1093 : vector<16xf32>
        %add3A_1101 = arith.addf %add3A_1099, %mul3A_1100 : vector<16xf32>
        %swap3A_1102 = arith.constant 6 : i32
        %swap3A_1103 = arith.index_cast %swap3A_1102 : i32 to index
        %swap3A_1104 = arith.constant 0 : index
        %swap3A_1105 = tpu.vector_load %arg19[%swap3A_1103, %swap3A_1104] {strides = array<i32>} : memref<8x16xf32, #tpu.memory_space<vmem>>, vector<16xf32>,
        tpu.vector_store %arg19[%swap3A_1103, %swap3A_1104], %add3A_1101 {strides = array<i32>} : memref<8x16xf32, #tpu.memory_space<vmem>>, vector<16xf32>,
        %get3A_1106 = arith.constant 6 : i32
        %get3A_1107 = arith.index_cast %get3A_1106 : i32 to index
        %get3A_1108 = arith.constant 0 : index
        %get3A_1109 = tpu.vector_load %arg20[%get3A_1107, %get3A_1108] {strides = array<i32>} : memref<8x16xf32, #tpu.memory_space<vmem>>, vector<16xf32>,
        %mul3A_1110 = arith.mulf %gather3A_832, %select_n3A_1089 : vector<16xf32>
        %add3A_1111 = arith.addf %get3A_1109, %mul3A_1110 : vector<16xf32>
        %mul3A_1112 = arith.mulf %gather3A_833, %select_n3A_1093 : vector<16xf32>
        %add3A_1113 = arith.addf %add3A_1111, %mul3A_1112 : vector<16xf32>
        %swap3A_1114 = arith.constant 6 : i32
        %swap3A_1115 = arith.index_cast %swap3A_1114 : i32 to index
        %swap3A_1116 = arith.constant 0 : index
        %swap3A_1117 = tpu.vector_load %arg20[%swap3A_1115, %swap3A_1116] {strides = array<i32>} : memref<8x16xf32, #tpu.memory_space<vmem>>, vector<16xf32>,
        tpu.vector_store %arg20[%swap3A_1115, %swap3A_1116], %add3A_1113 {strides = array<i32>} : memref<8x16xf32, #tpu.memory_space<vmem>>, vector<16xf32>,
        %get3A_1118 = arith.constant 6 : i32
        %get3A_1119 = arith.index_cast %get3A_1118 : i32 to index
        %get3A_1120 = arith.constant 0 : index
        %get3A_1121 = tpu.vector_load %arg21[%get3A_1119, %get3A_1120] {strides = array<i32>} : memref<8x16xf32, #tpu.memory_space<vmem>>, vector<16xf32>,
        %add3A_1122 = arith.addf %get3A_1121, %select_n3A_1089 : vector<16xf32>
        %add3A_1123 = arith.addf %add3A_1122, %select_n3A_1093 : vector<16xf32>
        %swap3A_1124 = arith.constant 6 : i32
        %swap3A_1125 = arith.index_cast %swap3A_1124 : i32 to index
        %swap3A_1126 = arith.constant 0 : index
        %swap3A_1127 = tpu.vector_load %arg21[%swap3A_1125, %swap3A_1126] {strides = array<i32>} : memref<8x16xf32, #tpu.memory_space<vmem>>, vector<16xf32>,
        tpu.vector_store %arg21[%swap3A_1125, %swap3A_1126], %add3A_1123 {strides = array<i32>} : memref<8x16xf32, #tpu.memory_space<vmem>>, vector<16xf32>,
        %eq3A_1128 = arith.constant 7 : i32
        %eq3A_1129 = vector.broadcast %eq3A_1128 : i32 to vector<16xi32>
        %eq3A_1130 = arith.cmpi eq, %all_reduce_ffs3A, %eq3A_1129 : vector<16xi32>
        %select_n3A_1131 = arith.select %eq3A_1130, %broadcast_in_dim3A_185, %broadcast_in_dim3A_187 : vector<16xi1>, vector<16xf32>
        %eq3A_1132 = arith.constant 7 : i32
        %eq3A_1133 = vector.broadcast %eq3A_1132 : i32 to vector<16xi32>
        %eq3A_1134 = arith.cmpi eq, %sub3A_825, %eq3A_1133 : vector<16xi32>
        %select_n3A_1135 = arith.select %eq3A_1134, %broadcast_in_dim3A_185, %broadcast_in_dim3A_187 : vector<16xi1>, vector<16xf32>
        %get3A_1136 = arith.constant 7 : i32
        %get3A_1137 = arith.index_cast %get3A_1136 : i32 to index
        %get3A_1138 = arith.constant 0 : index
        %get3A_1139 = tpu.vector_load %arg19[%get3A_1137, %get3A_1138] {strides = array<i32>} : memref<8x16xf32, #tpu.memory_space<vmem>>, vector<16xf32>,
        %mul3A_1140 = arith.mulf %gather3A_830, %select_n3A_1131 : vector<16xf32>
        %add3A_1141 = arith.addf %get3A_1139, %mul3A_1140 : vector<16xf32>
        %mul3A_1142 = arith.mulf %gather3A_831, %select_n3A_1135 : vector<16xf32>
        %add3A_1143 = arith.addf %add3A_1141, %mul3A_1142 : vector<16xf32>
        %swap3A_1144 = arith.constant 7 : i32
        %swap3A_1145 = arith.index_cast %swap3A_1144 : i32 to index
        %swap3A_1146 = arith.constant 0 : index
        %swap3A_1147 = tpu.vector_load %arg19[%swap3A_1145, %swap3A_1146] {strides = array<i32>} : memref<8x16xf32, #tpu.memory_space<vmem>>, vector<16xf32>,
        tpu.vector_store %arg19[%swap3A_1145, %swap3A_1146], %add3A_1143 {strides = array<i32>} : memref<8x16xf32, #tpu.memory_space<vmem>>, vector<16xf32>,
        %get3A_1148 = arith.constant 7 : i32
        %get3A_1149 = arith.index_cast %get3A_1148 : i32 to index
        %get3A_1150 = arith.constant 0 : index
        %get3A_1151 = tpu.vector_load %arg20[%get3A_1149, %get3A_1150] {strides = array<i32>} : memref<8x16xf32, #tpu.memory_space<vmem>>, vector<16xf32>,
        %mul3A_1152 = arith.mulf %gather3A_832, %select_n3A_1131 : vector<16xf32>
        %add3A_1153 = arith.addf %get3A_1151, %mul3A_1152 : vector<16xf32>
        %mul3A_1154 = arith.mulf %gather3A_833, %select_n3A_1135 : vector<16xf32>
        %add3A_1155 = arith.addf %add3A_1153, %mul3A_1154 : vector<16xf32>
        %swap3A_1156 = arith.constant 7 : i32
        %swap3A_1157 = arith.index_cast %swap3A_1156 : i32 to index
        %swap3A_1158 = arith.constant 0 : index
        %swap3A_1159 = tpu.vector_load %arg20[%swap3A_1157, %swap3A_1158] {strides = array<i32>} : memref<8x16xf32, #tpu.memory_space<vmem>>, vector<16xf32>,
        tpu.vector_store %arg20[%swap3A_1157, %swap3A_1158], %add3A_1155 {strides = array<i32>} : memref<8x16xf32, #tpu.memory_space<vmem>>, vector<16xf32>,
        %get3A_1160 = arith.constant 7 : i32
        %get3A_1161 = arith.index_cast %get3A_1160 : i32 to index
        %get3A_1162 = arith.constant 0 : index
        %get3A_1163 = tpu.vector_load %arg21[%get3A_1161, %get3A_1162] {strides = array<i32>} : memref<8x16xf32, #tpu.memory_space<vmem>>, vector<16xf32>,
        %add3A_1164 = arith.addf %get3A_1163, %select_n3A_1131 : vector<16xf32>
        %add3A_1165 = arith.addf %add3A_1164, %select_n3A_1135 : vector<16xf32>
        %swap3A_1166 = arith.constant 7 : i32
        %swap3A_1167 = arith.index_cast %swap3A_1166 : i32 to index
        %swap3A_1168 = arith.constant 0 : index
        %swap3A_1169 = tpu.vector_load %arg21[%swap3A_1167, %swap3A_1168] {strides = array<i32>} : memref<8x16xf32, #tpu.memory_space<vmem>>, vector<16xf32>,
        tpu.vector_store %arg21[%swap3A_1167, %swap3A_1168], %add3A_1165 {strides = array<i32>} : memref<8x16xf32, #tpu.memory_space<vmem>>, vector<16xf32>,
        %broadcast_in_dim3A_1170 = vector.broadcast %mul3A_791 : i32 to vector<16xi32>
        %broadcast_in_dim3A_1171 = vector.broadcast %add3A_793 : i32 to vector<16xi32>
        %select_n3A_1172 = arith.select %lt3A_40, %broadcast_in_dim3A_1170, %broadcast_in_dim3A_1171 : vector<16xi1>, vector<16xi32>
        %add3A_1173 = arith.addi %all_reduce_ffs3A, %broadcast_in_dim3A_35 : vector<16xi32>
        %add3A_1174 = arith.addi %sub3A_825, %broadcast_in_dim3A_35 : vector<16xi32>
        %select_n3A_1175 = arith.select %lt3A_40, %add3A_1173, %add3A_1174 : vector<16xi1>, vector<16xi32>
        %eq3A_1176 = arith.cmpi eq, %and3A_37, %select_n3A_1175 : vector<16xi32>
        %select_n3A_1177 = arith.select %eq3A_1176, %broadcast_in_dim3A_185, %broadcast_in_dim3A_187 : vector<16xi1>, vector<16xf32>
        tpu.vector_store_idx %arg24[%select_n3A_1172, %and3A_37], %select_n3A_1177 masked %eq3A_191 : memref<64x8xf32, #tpu.memory_space<vmem>>[vector<16xi32>, vector<16xi32>], vector<16xf32>, vector<16xi1>
      }
      %scan3A_197 = arith.constant 32 : i32
      %get3A = arith.constant 0 : i32
      %get3A_198 = arith.index_cast %get3A : i32 to index
      %get3A_199 = arith.constant 0 : index
      %get3A_200 = tpu.vector_load %arg21[%get3A_198, %get3A_199] {strides = array<i32>} : memref<8x16xf32, #tpu.memory_space<vmem>>, vector<16xf32>,
      %mul3A_201 = arith.constant 1.960000e+02 : f32
      %mul3A_202 = vector.broadcast %mul3A_201 : f32 to vector<16xf32>
      %mul3A_203 = arith.mulf %get3A_200, %mul3A_202 : vector<16xf32>
      %max3A = arith.constant 1.000000e+00 : f32
      %max3A_204 = vector.broadcast %max3A : f32 to vector<16xf32>
      %max3A_205 = arith.maximumf %mul3A_203, %max3A_204 : vector<16xf32>
      %get3A_206 = arith.constant 0 : i32
      %get3A_207 = arith.index_cast %get3A_206 : i32 to index
      %get3A_208 = arith.constant 0 : index
      %get3A_209 = tpu.vector_load %arg19[%get3A_207, %get3A_208] {strides = array<i32>} : memref<8x16xf32, #tpu.memory_space<vmem>>, vector<16xf32>,
      %div3A = arith.divf %get3A_209, %max3A_205 : vector<16xf32>
      %get3A_210 = arith.constant 0 : i32
      %get3A_211 = arith.index_cast %get3A_210 : i32 to index
      %get3A_212 = arith.constant 0 : index
      %get3A_213 = tpu.vector_load %arg20[%get3A_211, %get3A_212] {strides = array<i32>} : memref<8x16xf32, #tpu.memory_space<vmem>>, vector<16xf32>,
      %div3A_214 = arith.divf %get3A_213, %max3A_205 : vector<16xf32>
      %mul3A_215 = arith.mulf %div3A, %div3A : vector<16xf32>
      %sub3A = arith.subf %div3A_214, %mul3A_215 : vector<16xf32>
      %add3A_216 = arith.constant 9.99999974E-6 : f32
      %add3A_217 = vector.broadcast %add3A_216 : f32 to vector<16xf32>
      %add3A_218 = arith.addf %sub3A, %add3A_217 : vector<16xf32>
      %bitcast3A = vector.bitcast %add3A_218 : vector<16xf32> to vector<16xi32>
      %shift_right_logical3A = arith.constant 1 : i32
      %shift_right_logical3A_219 = vector.broadcast %shift_right_logical3A : i32 to vector<16xi32>
      %shift_right_logical3A_220 = arith.shrui %bitcast3A, %shift_right_logical3A_219 : vector<16xi32>
      %sub3A_221 = arith.constant 1597463007 : i32
      %sub3A_222 = vector.broadcast %sub3A_221 : i32 to vector<16xi32>
      %sub3A_223 = arith.subi %sub3A_222, %shift_right_logical3A_220 : vector<16xi32>
      %bitcast3A_224 = vector.bitcast %sub3A_223 : vector<16xi32> to vector<16xf32>
      %mul3A_225 = arith.constant 5.000000e-01 : f32
      %mul3A_226 = vector.broadcast %mul3A_225 : f32 to vector<16xf32>
      %mul3A_227 = arith.mulf %mul3A_226, %add3A_218 : vector<16xf32>
      %mul3A_228 = arith.mulf %mul3A_227, %bitcast3A_224 : vector<16xf32>
      %mul3A_229 = arith.mulf %mul3A_228, %bitcast3A_224 : vector<16xf32>
      %sub3A_230 = arith.constant 1.500000e+00 : f32
      %sub3A_231 = vector.broadcast %sub3A_230 : f32 to vector<16xf32>
      %sub3A_232 = arith.subf %sub3A_231, %mul3A_229 : vector<16xf32>
      %mul3A_233 = arith.mulf %bitcast3A_224, %sub3A_232 : vector<16xf32>
      %mul3A_234 = arith.constant 5.000000e-01 : f32
      %mul3A_235 = vector.broadcast %mul3A_234 : f32 to vector<16xf32>
      %mul3A_236 = arith.mulf %mul3A_235, %add3A_218 : vector<16xf32>
      %mul3A_237 = arith.mulf %mul3A_236, %mul3A_233 : vector<16xf32>
      %mul3A_238 = arith.mulf %mul3A_237, %mul3A_233 : vector<16xf32>
      %sub3A_239 = arith.constant 1.500000e+00 : f32
      %sub3A_240 = vector.broadcast %sub3A_239 : f32 to vector<16xf32>
      %sub3A_241 = arith.subf %sub3A_240, %mul3A_238 : vector<16xf32>
      %mul3A_242 = arith.mulf %mul3A_233, %sub3A_241 : vector<16xf32>
      %mul3A_243 = arith.constant 5.000000e-01 : f32
      %mul3A_244 = vector.broadcast %mul3A_243 : f32 to vector<16xf32>
      %mul3A_245 = arith.mulf %mul3A_244, %add3A_218 : vector<16xf32>
      %mul3A_246 = arith.mulf %mul3A_245, %mul3A_242 : vector<16xf32>
      %mul3A_247 = arith.mulf %mul3A_246, %mul3A_242 : vector<16xf32>
      %sub3A_248 = arith.constant 1.500000e+00 : f32
      %sub3A_249 = vector.broadcast %sub3A_248 : f32 to vector<16xf32>
      %sub3A_250 = arith.subf %sub3A_249, %mul3A_247 : vector<16xf32>
      %mul3A_251 = arith.mulf %mul3A_242, %sub3A_250 : vector<16xf32>
      %add3A_252 = arith.constant 0 : i32
      %add3A_253 = vector.broadcast %add3A_252 : i32 to vector<16xi32>
      %add3A_254 = arith.addi %broadcast_in_dim3A_35, %add3A_253 : vector<16xi32>
      %gather3A_255 = tpu.vector_load_idx %arg17[%iota3A, %add3A_254] : memref<16x8xf32, #tpu.memory_space<vmem>>[vector<16xi32>, vector<16xi32>], vector<16xf32>,
      %add3A_256 = arith.constant 0 : i32
      %add3A_257 = vector.broadcast %add3A_256 : i32 to vector<16xi32>
      %add3A_258 = arith.addi %broadcast_in_dim3A_35, %add3A_257 : vector<16xi32>
      %gather3A_259 = tpu.vector_load_idx %arg18[%iota3A, %add3A_258] : memref<16x8xf32, #tpu.memory_space<vmem>>[vector<16xi32>, vector<16xi32>], vector<16xf32>,
      %mul3A_260 = arith.mulf %gather3A_255, %mul3A_251 : vector<16xf32>
      %mul3A_261 = arith.mulf %div3A, %mul3A_260 : vector<16xf32>
      %sub3A_262 = arith.subf %gather3A_259, %mul3A_261 : vector<16xf32>
      %add3A_263 = arith.constant 0 : i32
      %add3A_264 = vector.broadcast %add3A_263 : i32 to vector<16xi32>
      %add3A_265 = arith.addi %broadcast_in_dim3A_35, %add3A_264 : vector<16xi32>
      tpu.vector_store_idx %arg22[%iota3A, %add3A_265], %mul3A_260 : memref<16x8xf32, #tpu.memory_space<vmem>>[vector<16xi32>, vector<16xi32>], vector<16xf32>,
      tpu.vector_store_idx %arg23[%iota3A, %add3A_265], %sub3A_262 : memref<16x8xf32, #tpu.memory_space<vmem>>[vector<16xi32>, vector<16xi32>], vector<16xf32>,
      %get3A_266 = arith.constant 1 : i32
      %get3A_267 = arith.index_cast %get3A_266 : i32 to index
      %get3A_268 = arith.constant 0 : index
      %get3A_269 = tpu.vector_load %arg21[%get3A_267, %get3A_268] {strides = array<i32>} : memref<8x16xf32, #tpu.memory_space<vmem>>, vector<16xf32>,
      %mul3A_270 = arith.constant 1.960000e+02 : f32
      %mul3A_271 = vector.broadcast %mul3A_270 : f32 to vector<16xf32>
      %mul3A_272 = arith.mulf %get3A_269, %mul3A_271 : vector<16xf32>
      %max3A_273 = arith.constant 1.000000e+00 : f32
      %max3A_274 = vector.broadcast %max3A_273 : f32 to vector<16xf32>
      %max3A_275 = arith.maximumf %mul3A_272, %max3A_274 : vector<16xf32>
      %get3A_276 = arith.constant 1 : i32
      %get3A_277 = arith.index_cast %get3A_276 : i32 to index
      %get3A_278 = arith.constant 0 : index
      %get3A_279 = tpu.vector_load %arg19[%get3A_277, %get3A_278] {strides = array<i32>} : memref<8x16xf32, #tpu.memory_space<vmem>>, vector<16xf32>,
      %div3A_280 = arith.divf %get3A_279, %max3A_275 : vector<16xf32>
      %get3A_281 = arith.constant 1 : i32
      %get3A_282 = arith.index_cast %get3A_281 : i32 to index
      %get3A_283 = arith.constant 0 : index
      %get3A_284 = tpu.vector_load %arg20[%get3A_282, %get3A_283] {strides = array<i32>} : memref<8x16xf32, #tpu.memory_space<vmem>>, vector<16xf32>,
      %div3A_285 = arith.divf %get3A_284, %max3A_275 : vector<16xf32>
      %mul3A_286 = arith.mulf %div3A_280, %div3A_280 : vector<16xf32>
      %sub3A_287 = arith.subf %div3A_285, %mul3A_286 : vector<16xf32>
      %add3A_288 = arith.constant 9.99999974E-6 : f32
      %add3A_289 = vector.broadcast %add3A_288 : f32 to vector<16xf32>
      %add3A_290 = arith.addf %sub3A_287, %add3A_289 : vector<16xf32>
      %bitcast3A_291 = vector.bitcast %add3A_290 : vector<16xf32> to vector<16xi32>
      %shift_right_logical3A_292 = arith.constant 1 : i32
      %shift_right_logical3A_293 = vector.broadcast %shift_right_logical3A_292 : i32 to vector<16xi32>
      %shift_right_logical3A_294 = arith.shrui %bitcast3A_291, %shift_right_logical3A_293 : vector<16xi32>
      %sub3A_295 = arith.constant 1597463007 : i32
      %sub3A_296 = vector.broadcast %sub3A_295 : i32 to vector<16xi32>
      %sub3A_297 = arith.subi %sub3A_296, %shift_right_logical3A_294 : vector<16xi32>
      %bitcast3A_298 = vector.bitcast %sub3A_297 : vector<16xi32> to vector<16xf32>
      %mul3A_299 = arith.constant 5.000000e-01 : f32
      %mul3A_300 = vector.broadcast %mul3A_299 : f32 to vector<16xf32>
      %mul3A_301 = arith.mulf %mul3A_300, %add3A_290 : vector<16xf32>
      %mul3A_302 = arith.mulf %mul3A_301, %bitcast3A_298 : vector<16xf32>
      %mul3A_303 = arith.mulf %mul3A_302, %bitcast3A_298 : vector<16xf32>
      %sub3A_304 = arith.constant 1.500000e+00 : f32
      %sub3A_305 = vector.broadcast %sub3A_304 : f32 to vector<16xf32>
      %sub3A_306 = arith.subf %sub3A_305, %mul3A_303 : vector<16xf32>
      %mul3A_307 = arith.mulf %bitcast3A_298, %sub3A_306 : vector<16xf32>
      %mul3A_308 = arith.constant 5.000000e-01 : f32
      %mul3A_309 = vector.broadcast %mul3A_308 : f32 to vector<16xf32>
      %mul3A_310 = arith.mulf %mul3A_309, %add3A_290 : vector<16xf32>
      %mul3A_311 = arith.mulf %mul3A_310, %mul3A_307 : vector<16xf32>
      %mul3A_312 = arith.mulf %mul3A_311, %mul3A_307 : vector<16xf32>
      %sub3A_313 = arith.constant 1.500000e+00 : f32
      %sub3A_314 = vector.broadcast %sub3A_313 : f32 to vector<16xf32>
      %sub3A_315 = arith.subf %sub3A_314, %mul3A_312 : vector<16xf32>
      %mul3A_316 = arith.mulf %mul3A_307, %sub3A_315 : vector<16xf32>
      %mul3A_317 = arith.constant 5.000000e-01 : f32
      %mul3A_318 = vector.broadcast %mul3A_317 : f32 to vector<16xf32>
      %mul3A_319 = arith.mulf %mul3A_318, %add3A_290 : vector<16xf32>
      %mul3A_320 = arith.mulf %mul3A_319, %mul3A_316 : vector<16xf32>
      %mul3A_321 = arith.mulf %mul3A_320, %mul3A_316 : vector<16xf32>
      %sub3A_322 = arith.constant 1.500000e+00 : f32
      %sub3A_323 = vector.broadcast %sub3A_322 : f32 to vector<16xf32>
      %sub3A_324 = arith.subf %sub3A_323, %mul3A_321 : vector<16xf32>
      %mul3A_325 = arith.mulf %mul3A_316, %sub3A_324 : vector<16xf32>
      %add3A_326 = arith.constant 1 : i32
      %add3A_327 = vector.broadcast %add3A_326 : i32 to vector<16xi32>
      %add3A_328 = arith.addi %broadcast_in_dim3A_35, %add3A_327 : vector<16xi32>
      %gather3A_329 = tpu.vector_load_idx %arg17[%iota3A, %add3A_328] : memref<16x8xf32, #tpu.memory_space<vmem>>[vector<16xi32>, vector<16xi32>], vector<16xf32>,
      %add3A_330 = arith.constant 1 : i32
      %add3A_331 = vector.broadcast %add3A_330 : i32 to vector<16xi32>
      %add3A_332 = arith.addi %broadcast_in_dim3A_35, %add3A_331 : vector<16xi32>
      %gather3A_333 = tpu.vector_load_idx %arg18[%iota3A, %add3A_332] : memref<16x8xf32, #tpu.memory_space<vmem>>[vector<16xi32>, vector<16xi32>], vector<16xf32>,
      %mul3A_334 = arith.mulf %gather3A_329, %mul3A_325 : vector<16xf32>
      %mul3A_335 = arith.mulf %div3A_280, %mul3A_334 : vector<16xf32>
      %sub3A_336 = arith.subf %gather3A_333, %mul3A_335 : vector<16xf32>
      %add3A_337 = arith.constant 1 : i32
      %add3A_338 = vector.broadcast %add3A_337 : i32 to vector<16xi32>
      %add3A_339 = arith.addi %broadcast_in_dim3A_35, %add3A_338 : vector<16xi32>
      tpu.vector_store_idx %arg22[%iota3A, %add3A_339], %mul3A_334 : memref<16x8xf32, #tpu.memory_space<vmem>>[vector<16xi32>, vector<16xi32>], vector<16xf32>,
      tpu.vector_store_idx %arg23[%iota3A, %add3A_339], %sub3A_336 : memref<16x8xf32, #tpu.memory_space<vmem>>[vector<16xi32>, vector<16xi32>], vector<16xf32>,
      %get3A_340 = arith.constant 2 : i32
      %get3A_341 = arith.index_cast %get3A_340 : i32 to index
      %get3A_342 = arith.constant 0 : index
      %get3A_343 = tpu.vector_load %arg21[%get3A_341, %get3A_342] {strides = array<i32>} : memref<8x16xf32, #tpu.memory_space<vmem>>, vector<16xf32>,
      %mul3A_344 = arith.constant 1.960000e+02 : f32
      %mul3A_345 = vector.broadcast %mul3A_344 : f32 to vector<16xf32>
      %mul3A_346 = arith.mulf %get3A_343, %mul3A_345 : vector<16xf32>
      %max3A_347 = arith.constant 1.000000e+00 : f32
      %max3A_348 = vector.broadcast %max3A_347 : f32 to vector<16xf32>
      %max3A_349 = arith.maximumf %mul3A_346, %max3A_348 : vector<16xf32>
      %get3A_350 = arith.constant 2 : i32
      %get3A_351 = arith.index_cast %get3A_350 : i32 to index
      %get3A_352 = arith.constant 0 : index
      %get3A_353 = tpu.vector_load %arg19[%get3A_351, %get3A_352] {strides = array<i32>} : memref<8x16xf32, #tpu.memory_space<vmem>>, vector<16xf32>,
      %div3A_354 = arith.divf %get3A_353, %max3A_349 : vector<16xf32>
      %get3A_355 = arith.constant 2 : i32
      %get3A_356 = arith.index_cast %get3A_355 : i32 to index
      %get3A_357 = arith.constant 0 : index
      %get3A_358 = tpu.vector_load %arg20[%get3A_356, %get3A_357] {strides = array<i32>} : memref<8x16xf32, #tpu.memory_space<vmem>>, vector<16xf32>,
      %div3A_359 = arith.divf %get3A_358, %max3A_349 : vector<16xf32>
      %mul3A_360 = arith.mulf %div3A_354, %div3A_354 : vector<16xf32>
      %sub3A_361 = arith.subf %div3A_359, %mul3A_360 : vector<16xf32>
      %add3A_362 = arith.constant 9.99999974E-6 : f32
      %add3A_363 = vector.broadcast %add3A_362 : f32 to vector<16xf32>
      %add3A_364 = arith.addf %sub3A_361, %add3A_363 : vector<16xf32>
      %bitcast3A_365 = vector.bitcast %add3A_364 : vector<16xf32> to vector<16xi32>
      %shift_right_logical3A_366 = arith.constant 1 : i32
      %shift_right_logical3A_367 = vector.broadcast %shift_right_logical3A_366 : i32 to vector<16xi32>
      %shift_right_logical3A_368 = arith.shrui %bitcast3A_365, %shift_right_logical3A_367 : vector<16xi32>
      %sub3A_369 = arith.constant 1597463007 : i32
      %sub3A_370 = vector.broadcast %sub3A_369 : i32 to vector<16xi32>
      %sub3A_371 = arith.subi %sub3A_370, %shift_right_logical3A_368 : vector<16xi32>
      %bitcast3A_372 = vector.bitcast %sub3A_371 : vector<16xi32> to vector<16xf32>
      %mul3A_373 = arith.constant 5.000000e-01 : f32
      %mul3A_374 = vector.broadcast %mul3A_373 : f32 to vector<16xf32>
      %mul3A_375 = arith.mulf %mul3A_374, %add3A_364 : vector<16xf32>
      %mul3A_376 = arith.mulf %mul3A_375, %bitcast3A_372 : vector<16xf32>
      %mul3A_377 = arith.mulf %mul3A_376, %bitcast3A_372 : vector<16xf32>
      %sub3A_378 = arith.constant 1.500000e+00 : f32
      %sub3A_379 = vector.broadcast %sub3A_378 : f32 to vector<16xf32>
      %sub3A_380 = arith.subf %sub3A_379, %mul3A_377 : vector<16xf32>
      %mul3A_381 = arith.mulf %bitcast3A_372, %sub3A_380 : vector<16xf32>
      %mul3A_382 = arith.constant 5.000000e-01 : f32
      %mul3A_383 = vector.broadcast %mul3A_382 : f32 to vector<16xf32>
      %mul3A_384 = arith.mulf %mul3A_383, %add3A_364 : vector<16xf32>
      %mul3A_385 = arith.mulf %mul3A_384, %mul3A_381 : vector<16xf32>
      %mul3A_386 = arith.mulf %mul3A_385, %mul3A_381 : vector<16xf32>
      %sub3A_387 = arith.constant 1.500000e+00 : f32
      %sub3A_388 = vector.broadcast %sub3A_387 : f32 to vector<16xf32>
      %sub3A_389 = arith.subf %sub3A_388, %mul3A_386 : vector<16xf32>
      %mul3A_390 = arith.mulf %mul3A_381, %sub3A_389 : vector<16xf32>
      %mul3A_391 = arith.constant 5.000000e-01 : f32
      %mul3A_392 = vector.broadcast %mul3A_391 : f32 to vector<16xf32>
      %mul3A_393 = arith.mulf %mul3A_392, %add3A_364 : vector<16xf32>
      %mul3A_394 = arith.mulf %mul3A_393, %mul3A_390 : vector<16xf32>
      %mul3A_395 = arith.mulf %mul3A_394, %mul3A_390 : vector<16xf32>
      %sub3A_396 = arith.constant 1.500000e+00 : f32
      %sub3A_397 = vector.broadcast %sub3A_396 : f32 to vector<16xf32>
      %sub3A_398 = arith.subf %sub3A_397, %mul3A_395 : vector<16xf32>
      %mul3A_399 = arith.mulf %mul3A_390, %sub3A_398 : vector<16xf32>
      %add3A_400 = arith.constant 2 : i32
      %add3A_401 = vector.broadcast %add3A_400 : i32 to vector<16xi32>
      %add3A_402 = arith.addi %broadcast_in_dim3A_35, %add3A_401 : vector<16xi32>
      %gather3A_403 = tpu.vector_load_idx %arg17[%iota3A, %add3A_402] : memref<16x8xf32, #tpu.memory_space<vmem>>[vector<16xi32>, vector<16xi32>], vector<16xf32>,
      %add3A_404 = arith.constant 2 : i32
      %add3A_405 = vector.broadcast %add3A_404 : i32 to vector<16xi32>
      %add3A_406 = arith.addi %broadcast_in_dim3A_35, %add3A_405 : vector<16xi32>
      %gather3A_407 = tpu.vector_load_idx %arg18[%iota3A, %add3A_406] : memref<16x8xf32, #tpu.memory_space<vmem>>[vector<16xi32>, vector<16xi32>], vector<16xf32>,
      %mul3A_408 = arith.mulf %gather3A_403, %mul3A_399 : vector<16xf32>
      %mul3A_409 = arith.mulf %div3A_354, %mul3A_408 : vector<16xf32>
      %sub3A_410 = arith.subf %gather3A_407, %mul3A_409 : vector<16xf32>
      %add3A_411 = arith.constant 2 : i32
      %add3A_412 = vector.broadcast %add3A_411 : i32 to vector<16xi32>
      %add3A_413 = arith.addi %broadcast_in_dim3A_35, %add3A_412 : vector<16xi32>
      tpu.vector_store_idx %arg22[%iota3A, %add3A_413], %mul3A_408 : memref<16x8xf32, #tpu.memory_space<vmem>>[vector<16xi32>, vector<16xi32>], vector<16xf32>,
      tpu.vector_store_idx %arg23[%iota3A, %add3A_413], %sub3A_410 : memref<16x8xf32, #tpu.memory_space<vmem>>[vector<16xi32>, vector<16xi32>], vector<16xf32>,
      %get3A_414 = arith.constant 3 : i32
      %get3A_415 = arith.index_cast %get3A_414 : i32 to index
      %get3A_416 = arith.constant 0 : index
      %get3A_417 = tpu.vector_load %arg21[%get3A_415, %get3A_416] {strides = array<i32>} : memref<8x16xf32, #tpu.memory_space<vmem>>, vector<16xf32>,
      %mul3A_418 = arith.constant 1.960000e+02 : f32
      %mul3A_419 = vector.broadcast %mul3A_418 : f32 to vector<16xf32>
      %mul3A_420 = arith.mulf %get3A_417, %mul3A_419 : vector<16xf32>
      %max3A_421 = arith.constant 1.000000e+00 : f32
      %max3A_422 = vector.broadcast %max3A_421 : f32 to vector<16xf32>
      %max3A_423 = arith.maximumf %mul3A_420, %max3A_422 : vector<16xf32>
      %get3A_424 = arith.constant 3 : i32
      %get3A_425 = arith.index_cast %get3A_424 : i32 to index
      %get3A_426 = arith.constant 0 : index
      %get3A_427 = tpu.vector_load %arg19[%get3A_425, %get3A_426] {strides = array<i32>} : memref<8x16xf32, #tpu.memory_space<vmem>>, vector<16xf32>,
      %div3A_428 = arith.divf %get3A_427, %max3A_423 : vector<16xf32>
      %get3A_429 = arith.constant 3 : i32
      %get3A_430 = arith.index_cast %get3A_429 : i32 to index
      %get3A_431 = arith.constant 0 : index
      %get3A_432 = tpu.vector_load %arg20[%get3A_430, %get3A_431] {strides = array<i32>} : memref<8x16xf32, #tpu.memory_space<vmem>>, vector<16xf32>,
      %div3A_433 = arith.divf %get3A_432, %max3A_423 : vector<16xf32>
      %mul3A_434 = arith.mulf %div3A_428, %div3A_428 : vector<16xf32>
      %sub3A_435 = arith.subf %div3A_433, %mul3A_434 : vector<16xf32>
      %add3A_436 = arith.constant 9.99999974E-6 : f32
      %add3A_437 = vector.broadcast %add3A_436 : f32 to vector<16xf32>
      %add3A_438 = arith.addf %sub3A_435, %add3A_437 : vector<16xf32>
      %bitcast3A_439 = vector.bitcast %add3A_438 : vector<16xf32> to vector<16xi32>
      %shift_right_logical3A_440 = arith.constant 1 : i32
      %shift_right_logical3A_441 = vector.broadcast %shift_right_logical3A_440 : i32 to vector<16xi32>
      %shift_right_logical3A_442 = arith.shrui %bitcast3A_439, %shift_right_logical3A_441 : vector<16xi32>
      %sub3A_443 = arith.constant 1597463007 : i32
      %sub3A_444 = vector.broadcast %sub3A_443 : i32 to vector<16xi32>
      %sub3A_445 = arith.subi %sub3A_444, %shift_right_logical3A_442 : vector<16xi32>
      %bitcast3A_446 = vector.bitcast %sub3A_445 : vector<16xi32> to vector<16xf32>
      %mul3A_447 = arith.constant 5.000000e-01 : f32
      %mul3A_448 = vector.broadcast %mul3A_447 : f32 to vector<16xf32>
      %mul3A_449 = arith.mulf %mul3A_448, %add3A_438 : vector<16xf32>
      %mul3A_450 = arith.mulf %mul3A_449, %bitcast3A_446 : vector<16xf32>
      %mul3A_451 = arith.mulf %mul3A_450, %bitcast3A_446 : vector<16xf32>
      %sub3A_452 = arith.constant 1.500000e+00 : f32
      %sub3A_453 = vector.broadcast %sub3A_452 : f32 to vector<16xf32>
      %sub3A_454 = arith.subf %sub3A_453, %mul3A_451 : vector<16xf32>
      %mul3A_455 = arith.mulf %bitcast3A_446, %sub3A_454 : vector<16xf32>
      %mul3A_456 = arith.constant 5.000000e-01 : f32
      %mul3A_457 = vector.broadcast %mul3A_456 : f32 to vector<16xf32>
      %mul3A_458 = arith.mulf %mul3A_457, %add3A_438 : vector<16xf32>
      %mul3A_459 = arith.mulf %mul3A_458, %mul3A_455 : vector<16xf32>
      %mul3A_460 = arith.mulf %mul3A_459, %mul3A_455 : vector<16xf32>
      %sub3A_461 = arith.constant 1.500000e+00 : f32
      %sub3A_462 = vector.broadcast %sub3A_461 : f32 to vector<16xf32>
      %sub3A_463 = arith.subf %sub3A_462, %mul3A_460 : vector<16xf32>
      %mul3A_464 = arith.mulf %mul3A_455, %sub3A_463 : vector<16xf32>
      %mul3A_465 = arith.constant 5.000000e-01 : f32
      %mul3A_466 = vector.broadcast %mul3A_465 : f32 to vector<16xf32>
      %mul3A_467 = arith.mulf %mul3A_466, %add3A_438 : vector<16xf32>
      %mul3A_468 = arith.mulf %mul3A_467, %mul3A_464 : vector<16xf32>
      %mul3A_469 = arith.mulf %mul3A_468, %mul3A_464 : vector<16xf32>
      %sub3A_470 = arith.constant 1.500000e+00 : f32
      %sub3A_471 = vector.broadcast %sub3A_470 : f32 to vector<16xf32>
      %sub3A_472 = arith.subf %sub3A_471, %mul3A_469 : vector<16xf32>
      %mul3A_473 = arith.mulf %mul3A_464, %sub3A_472 : vector<16xf32>
      %add3A_474 = arith.constant 3 : i32
      %add3A_475 = vector.broadcast %add3A_474 : i32 to vector<16xi32>
      %add3A_476 = arith.addi %broadcast_in_dim3A_35, %add3A_475 : vector<16xi32>
      %gather3A_477 = tpu.vector_load_idx %arg17[%iota3A, %add3A_476] : memref<16x8xf32, #tpu.memory_space<vmem>>[vector<16xi32>, vector<16xi32>], vector<16xf32>,
      %add3A_478 = arith.constant 3 : i32
      %add3A_479 = vector.broadcast %add3A_478 : i32 to vector<16xi32>
      %add3A_480 = arith.addi %broadcast_in_dim3A_35, %add3A_479 : vector<16xi32>
      %gather3A_481 = tpu.vector_load_idx %arg18[%iota3A, %add3A_480] : memref<16x8xf32, #tpu.memory_space<vmem>>[vector<16xi32>, vector<16xi32>], vector<16xf32>,
      %mul3A_482 = arith.mulf %gather3A_477, %mul3A_473 : vector<16xf32>
      %mul3A_483 = arith.mulf %div3A_428, %mul3A_482 : vector<16xf32>
      %sub3A_484 = arith.subf %gather3A_481, %mul3A_483 : vector<16xf32>
      %add3A_485 = arith.constant 3 : i32
      %add3A_486 = vector.broadcast %add3A_485 : i32 to vector<16xi32>
      %add3A_487 = arith.addi %broadcast_in_dim3A_35, %add3A_486 : vector<16xi32>
      tpu.vector_store_idx %arg22[%iota3A, %add3A_487], %mul3A_482 : memref<16x8xf32, #tpu.memory_space<vmem>>[vector<16xi32>, vector<16xi32>], vector<16xf32>,
      tpu.vector_store_idx %arg23[%iota3A, %add3A_487], %sub3A_484 : memref<16x8xf32, #tpu.memory_space<vmem>>[vector<16xi32>, vector<16xi32>], vector<16xf32>,
      %get3A_488 = arith.constant 4 : i32
      %get3A_489 = arith.index_cast %get3A_488 : i32 to index
      %get3A_490 = arith.constant 0 : index
      %get3A_491 = tpu.vector_load %arg21[%get3A_489, %get3A_490] {strides = array<i32>} : memref<8x16xf32, #tpu.memory_space<vmem>>, vector<16xf32>,
      %mul3A_492 = arith.constant 1.960000e+02 : f32
      %mul3A_493 = vector.broadcast %mul3A_492 : f32 to vector<16xf32>
      %mul3A_494 = arith.mulf %get3A_491, %mul3A_493 : vector<16xf32>
      %max3A_495 = arith.constant 1.000000e+00 : f32
      %max3A_496 = vector.broadcast %max3A_495 : f32 to vector<16xf32>
      %max3A_497 = arith.maximumf %mul3A_494, %max3A_496 : vector<16xf32>
      %get3A_498 = arith.constant 4 : i32
      %get3A_499 = arith.index_cast %get3A_498 : i32 to index
      %get3A_500 = arith.constant 0 : index
      %get3A_501 = tpu.vector_load %arg19[%get3A_499, %get3A_500] {strides = array<i32>} : memref<8x16xf32, #tpu.memory_space<vmem>>, vector<16xf32>,
      %div3A_502 = arith.divf %get3A_501, %max3A_497 : vector<16xf32>
      %get3A_503 = arith.constant 4 : i32
      %get3A_504 = arith.index_cast %get3A_503 : i32 to index
      %get3A_505 = arith.constant 0 : index
      %get3A_506 = tpu.vector_load %arg20[%get3A_504, %get3A_505] {strides = array<i32>} : memref<8x16xf32, #tpu.memory_space<vmem>>, vector<16xf32>,
      %div3A_507 = arith.divf %get3A_506, %max3A_497 : vector<16xf32>
      %mul3A_508 = arith.mulf %div3A_502, %div3A_502 : vector<16xf32>
      %sub3A_509 = arith.subf %div3A_507, %mul3A_508 : vector<16xf32>
      %add3A_510 = arith.constant 9.99999974E-6 : f32
      %add3A_511 = vector.broadcast %add3A_510 : f32 to vector<16xf32>
      %add3A_512 = arith.addf %sub3A_509, %add3A_511 : vector<16xf32>
      %bitcast3A_513 = vector.bitcast %add3A_512 : vector<16xf32> to vector<16xi32>
      %shift_right_logical3A_514 = arith.constant 1 : i32
      %shift_right_logical3A_515 = vector.broadcast %shift_right_logical3A_514 : i32 to vector<16xi32>
      %shift_right_logical3A_516 = arith.shrui %bitcast3A_513, %shift_right_logical3A_515 : vector<16xi32>
      %sub3A_517 = arith.constant 1597463007 : i32
      %sub3A_518 = vector.broadcast %sub3A_517 : i32 to vector<16xi32>
      %sub3A_519 = arith.subi %sub3A_518, %shift_right_logical3A_516 : vector<16xi32>
      %bitcast3A_520 = vector.bitcast %sub3A_519 : vector<16xi32> to vector<16xf32>
      %mul3A_521 = arith.constant 5.000000e-01 : f32
      %mul3A_522 = vector.broadcast %mul3A_521 : f32 to vector<16xf32>
      %mul3A_523 = arith.mulf %mul3A_522, %add3A_512 : vector<16xf32>
      %mul3A_524 = arith.mulf %mul3A_523, %bitcast3A_520 : vector<16xf32>
      %mul3A_525 = arith.mulf %mul3A_524, %bitcast3A_520 : vector<16xf32>
      %sub3A_526 = arith.constant 1.500000e+00 : f32
      %sub3A_527 = vector.broadcast %sub3A_526 : f32 to vector<16xf32>
      %sub3A_528 = arith.subf %sub3A_527, %mul3A_525 : vector<16xf32>
      %mul3A_529 = arith.mulf %bitcast3A_520, %sub3A_528 : vector<16xf32>
      %mul3A_530 = arith.constant 5.000000e-01 : f32
      %mul3A_531 = vector.broadcast %mul3A_530 : f32 to vector<16xf32>
      %mul3A_532 = arith.mulf %mul3A_531, %add3A_512 : vector<16xf32>
      %mul3A_533 = arith.mulf %mul3A_532, %mul3A_529 : vector<16xf32>
      %mul3A_534 = arith.mulf %mul3A_533, %mul3A_529 : vector<16xf32>
      %sub3A_535 = arith.constant 1.500000e+00 : f32
      %sub3A_536 = vector.broadcast %sub3A_535 : f32 to vector<16xf32>
      %sub3A_537 = arith.subf %sub3A_536, %mul3A_534 : vector<16xf32>
      %mul3A_538 = arith.mulf %mul3A_529, %sub3A_537 : vector<16xf32>
      %mul3A_539 = arith.constant 5.000000e-01 : f32
      %mul3A_540 = vector.broadcast %mul3A_539 : f32 to vector<16xf32>
      %mul3A_541 = arith.mulf %mul3A_540, %add3A_512 : vector<16xf32>
      %mul3A_542 = arith.mulf %mul3A_541, %mul3A_538 : vector<16xf32>
      %mul3A_543 = arith.mulf %mul3A_542, %mul3A_538 : vector<16xf32>
      %sub3A_544 = arith.constant 1.500000e+00 : f32
      %sub3A_545 = vector.broadcast %sub3A_544 : f32 to vector<16xf32>
      %sub3A_546 = arith.subf %sub3A_545, %mul3A_543 : vector<16xf32>
      %mul3A_547 = arith.mulf %mul3A_538, %sub3A_546 : vector<16xf32>
      %add3A_548 = arith.constant 4 : i32
      %add3A_549 = vector.broadcast %add3A_548 : i32 to vector<16xi32>
      %add3A_550 = arith.addi %broadcast_in_dim3A_35, %add3A_549 : vector<16xi32>
      %gather3A_551 = tpu.vector_load_idx %arg17[%iota3A, %add3A_550] : memref<16x8xf32, #tpu.memory_space<vmem>>[vector<16xi32>, vector<16xi32>], vector<16xf32>,
      %add3A_552 = arith.constant 4 : i32
      %add3A_553 = vector.broadcast %add3A_552 : i32 to vector<16xi32>
      %add3A_554 = arith.addi %broadcast_in_dim3A_35, %add3A_553 : vector<16xi32>
      %gather3A_555 = tpu.vector_load_idx %arg18[%iota3A, %add3A_554] : memref<16x8xf32, #tpu.memory_space<vmem>>[vector<16xi32>, vector<16xi32>], vector<16xf32>,
      %mul3A_556 = arith.mulf %gather3A_551, %mul3A_547 : vector<16xf32>
      %mul3A_557 = arith.mulf %div3A_502, %mul3A_556 : vector<16xf32>
      %sub3A_558 = arith.subf %gather3A_555, %mul3A_557 : vector<16xf32>
      %add3A_559 = arith.constant 4 : i32
      %add3A_560 = vector.broadcast %add3A_559 : i32 to vector<16xi32>
      %add3A_561 = arith.addi %broadcast_in_dim3A_35, %add3A_560 : vector<16xi32>
      tpu.vector_store_idx %arg22[%iota3A, %add3A_561], %mul3A_556 : memref<16x8xf32, #tpu.memory_space<vmem>>[vector<16xi32>, vector<16xi32>], vector<16xf32>,
      tpu.vector_store_idx %arg23[%iota3A, %add3A_561], %sub3A_558 : memref<16x8xf32, #tpu.memory_space<vmem>>[vector<16xi32>, vector<16xi32>], vector<16xf32>,
      %get3A_562 = arith.constant 5 : i32
      %get3A_563 = arith.index_cast %get3A_562 : i32 to index
      %get3A_564 = arith.constant 0 : index
      %get3A_565 = tpu.vector_load %arg21[%get3A_563, %get3A_564] {strides = array<i32>} : memref<8x16xf32, #tpu.memory_space<vmem>>, vector<16xf32>,
      %mul3A_566 = arith.constant 1.960000e+02 : f32
      %mul3A_567 = vector.broadcast %mul3A_566 : f32 to vector<16xf32>
      %mul3A_568 = arith.mulf %get3A_565, %mul3A_567 : vector<16xf32>
      %max3A_569 = arith.constant 1.000000e+00 : f32
      %max3A_570 = vector.broadcast %max3A_569 : f32 to vector<16xf32>
      %max3A_571 = arith.maximumf %mul3A_568, %max3A_570 : vector<16xf32>
      %get3A_572 = arith.constant 5 : i32
      %get3A_573 = arith.index_cast %get3A_572 : i32 to index
      %get3A_574 = arith.constant 0 : index
      %get3A_575 = tpu.vector_load %arg19[%get3A_573, %get3A_574] {strides = array<i32>} : memref<8x16xf32, #tpu.memory_space<vmem>>, vector<16xf32>,
      %div3A_576 = arith.divf %get3A_575, %max3A_571 : vector<16xf32>
      %get3A_577 = arith.constant 5 : i32
      %get3A_578 = arith.index_cast %get3A_577 : i32 to index
      %get3A_579 = arith.constant 0 : index
      %get3A_580 = tpu.vector_load %arg20[%get3A_578, %get3A_579] {strides = array<i32>} : memref<8x16xf32, #tpu.memory_space<vmem>>, vector<16xf32>,
      %div3A_581 = arith.divf %get3A_580, %max3A_571 : vector<16xf32>
      %mul3A_582 = arith.mulf %div3A_576, %div3A_576 : vector<16xf32>
      %sub3A_583 = arith.subf %div3A_581, %mul3A_582 : vector<16xf32>
      %add3A_584 = arith.constant 9.99999974E-6 : f32
      %add3A_585 = vector.broadcast %add3A_584 : f32 to vector<16xf32>
      %add3A_586 = arith.addf %sub3A_583, %add3A_585 : vector<16xf32>
      %bitcast3A_587 = vector.bitcast %add3A_586 : vector<16xf32> to vector<16xi32>
      %shift_right_logical3A_588 = arith.constant 1 : i32
      %shift_right_logical3A_589 = vector.broadcast %shift_right_logical3A_588 : i32 to vector<16xi32>
      %shift_right_logical3A_590 = arith.shrui %bitcast3A_587, %shift_right_logical3A_589 : vector<16xi32>
      %sub3A_591 = arith.constant 1597463007 : i32
      %sub3A_592 = vector.broadcast %sub3A_591 : i32 to vector<16xi32>
      %sub3A_593 = arith.subi %sub3A_592, %shift_right_logical3A_590 : vector<16xi32>
      %bitcast3A_594 = vector.bitcast %sub3A_593 : vector<16xi32> to vector<16xf32>
      %mul3A_595 = arith.constant 5.000000e-01 : f32
      %mul3A_596 = vector.broadcast %mul3A_595 : f32 to vector<16xf32>
      %mul3A_597 = arith.mulf %mul3A_596, %add3A_586 : vector<16xf32>
      %mul3A_598 = arith.mulf %mul3A_597, %bitcast3A_594 : vector<16xf32>
      %mul3A_599 = arith.mulf %mul3A_598, %bitcast3A_594 : vector<16xf32>
      %sub3A_600 = arith.constant 1.500000e+00 : f32
      %sub3A_601 = vector.broadcast %sub3A_600 : f32 to vector<16xf32>
      %sub3A_602 = arith.subf %sub3A_601, %mul3A_599 : vector<16xf32>
      %mul3A_603 = arith.mulf %bitcast3A_594, %sub3A_602 : vector<16xf32>
      %mul3A_604 = arith.constant 5.000000e-01 : f32
      %mul3A_605 = vector.broadcast %mul3A_604 : f32 to vector<16xf32>
      %mul3A_606 = arith.mulf %mul3A_605, %add3A_586 : vector<16xf32>
      %mul3A_607 = arith.mulf %mul3A_606, %mul3A_603 : vector<16xf32>
      %mul3A_608 = arith.mulf %mul3A_607, %mul3A_603 : vector<16xf32>
      %sub3A_609 = arith.constant 1.500000e+00 : f32
      %sub3A_610 = vector.broadcast %sub3A_609 : f32 to vector<16xf32>
      %sub3A_611 = arith.subf %sub3A_610, %mul3A_608 : vector<16xf32>
      %mul3A_612 = arith.mulf %mul3A_603, %sub3A_611 : vector<16xf32>
      %mul3A_613 = arith.constant 5.000000e-01 : f32
      %mul3A_614 = vector.broadcast %mul3A_613 : f32 to vector<16xf32>
      %mul3A_615 = arith.mulf %mul3A_614, %add3A_586 : vector<16xf32>
      %mul3A_616 = arith.mulf %mul3A_615, %mul3A_612 : vector<16xf32>
      %mul3A_617 = arith.mulf %mul3A_616, %mul3A_612 : vector<16xf32>
      %sub3A_618 = arith.constant 1.500000e+00 : f32
      %sub3A_619 = vector.broadcast %sub3A_618 : f32 to vector<16xf32>
      %sub3A_620 = arith.subf %sub3A_619, %mul3A_617 : vector<16xf32>
      %mul3A_621 = arith.mulf %mul3A_612, %sub3A_620 : vector<16xf32>
      %add3A_622 = arith.constant 5 : i32
      %add3A_623 = vector.broadcast %add3A_622 : i32 to vector<16xi32>
      %add3A_624 = arith.addi %broadcast_in_dim3A_35, %add3A_623 : vector<16xi32>
      %gather3A_625 = tpu.vector_load_idx %arg17[%iota3A, %add3A_624] : memref<16x8xf32, #tpu.memory_space<vmem>>[vector<16xi32>, vector<16xi32>], vector<16xf32>,
      %add3A_626 = arith.constant 5 : i32
      %add3A_627 = vector.broadcast %add3A_626 : i32 to vector<16xi32>
      %add3A_628 = arith.addi %broadcast_in_dim3A_35, %add3A_627 : vector<16xi32>
      %gather3A_629 = tpu.vector_load_idx %arg18[%iota3A, %add3A_628] : memref<16x8xf32, #tpu.memory_space<vmem>>[vector<16xi32>, vector<16xi32>], vector<16xf32>,
      %mul3A_630 = arith.mulf %gather3A_625, %mul3A_621 : vector<16xf32>
      %mul3A_631 = arith.mulf %div3A_576, %mul3A_630 : vector<16xf32>
      %sub3A_632 = arith.subf %gather3A_629, %mul3A_631 : vector<16xf32>
      %add3A_633 = arith.constant 5 : i32
      %add3A_634 = vector.broadcast %add3A_633 : i32 to vector<16xi32>
      %add3A_635 = arith.addi %broadcast_in_dim3A_35, %add3A_634 : vector<16xi32>
      tpu.vector_store_idx %arg22[%iota3A, %add3A_635], %mul3A_630 : memref<16x8xf32, #tpu.memory_space<vmem>>[vector<16xi32>, vector<16xi32>], vector<16xf32>,
      tpu.vector_store_idx %arg23[%iota3A, %add3A_635], %sub3A_632 : memref<16x8xf32, #tpu.memory_space<vmem>>[vector<16xi32>, vector<16xi32>], vector<16xf32>,
      %get3A_636 = arith.constant 6 : i32
      %get3A_637 = arith.index_cast %get3A_636 : i32 to index
      %get3A_638 = arith.constant 0 : index
      %get3A_639 = tpu.vector_load %arg21[%get3A_637, %get3A_638] {strides = array<i32>} : memref<8x16xf32, #tpu.memory_space<vmem>>, vector<16xf32>,
      %mul3A_640 = arith.constant 1.960000e+02 : f32
      %mul3A_641 = vector.broadcast %mul3A_640 : f32 to vector<16xf32>
      %mul3A_642 = arith.mulf %get3A_639, %mul3A_641 : vector<16xf32>
      %max3A_643 = arith.constant 1.000000e+00 : f32
      %max3A_644 = vector.broadcast %max3A_643 : f32 to vector<16xf32>
      %max3A_645 = arith.maximumf %mul3A_642, %max3A_644 : vector<16xf32>
      %get3A_646 = arith.constant 6 : i32
      %get3A_647 = arith.index_cast %get3A_646 : i32 to index
      %get3A_648 = arith.constant 0 : index
      %get3A_649 = tpu.vector_load %arg19[%get3A_647, %get3A_648] {strides = array<i32>} : memref<8x16xf32, #tpu.memory_space<vmem>>, vector<16xf32>,
      %div3A_650 = arith.divf %get3A_649, %max3A_645 : vector<16xf32>
      %get3A_651 = arith.constant 6 : i32
      %get3A_652 = arith.index_cast %get3A_651 : i32 to index
      %get3A_653 = arith.constant 0 : index
      %get3A_654 = tpu.vector_load %arg20[%get3A_652, %get3A_653] {strides = array<i32>} : memref<8x16xf32, #tpu.memory_space<vmem>>, vector<16xf32>,
      %div3A_655 = arith.divf %get3A_654, %max3A_645 : vector<16xf32>
      %mul3A_656 = arith.mulf %div3A_650, %div3A_650 : vector<16xf32>
      %sub3A_657 = arith.subf %div3A_655, %mul3A_656 : vector<16xf32>
      %add3A_658 = arith.constant 9.99999974E-6 : f32
      %add3A_659 = vector.broadcast %add3A_658 : f32 to vector<16xf32>
      %add3A_660 = arith.addf %sub3A_657, %add3A_659 : vector<16xf32>
      %bitcast3A_661 = vector.bitcast %add3A_660 : vector<16xf32> to vector<16xi32>
      %shift_right_logical3A_662 = arith.constant 1 : i32
      %shift_right_logical3A_663 = vector.broadcast %shift_right_logical3A_662 : i32 to vector<16xi32>
      %shift_right_logical3A_664 = arith.shrui %bitcast3A_661, %shift_right_logical3A_663 : vector<16xi32>
      %sub3A_665 = arith.constant 1597463007 : i32
      %sub3A_666 = vector.broadcast %sub3A_665 : i32 to vector<16xi32>
      %sub3A_667 = arith.subi %sub3A_666, %shift_right_logical3A_664 : vector<16xi32>
      %bitcast3A_668 = vector.bitcast %sub3A_667 : vector<16xi32> to vector<16xf32>
      %mul3A_669 = arith.constant 5.000000e-01 : f32
      %mul3A_670 = vector.broadcast %mul3A_669 : f32 to vector<16xf32>
      %mul3A_671 = arith.mulf %mul3A_670, %add3A_660 : vector<16xf32>
      %mul3A_672 = arith.mulf %mul3A_671, %bitcast3A_668 : vector<16xf32>
      %mul3A_673 = arith.mulf %mul3A_672, %bitcast3A_668 : vector<16xf32>
      %sub3A_674 = arith.constant 1.500000e+00 : f32
      %sub3A_675 = vector.broadcast %sub3A_674 : f32 to vector<16xf32>
      %sub3A_676 = arith.subf %sub3A_675, %mul3A_673 : vector<16xf32>
      %mul3A_677 = arith.mulf %bitcast3A_668, %sub3A_676 : vector<16xf32>
      %mul3A_678 = arith.constant 5.000000e-01 : f32
      %mul3A_679 = vector.broadcast %mul3A_678 : f32 to vector<16xf32>
      %mul3A_680 = arith.mulf %mul3A_679, %add3A_660 : vector<16xf32>
      %mul3A_681 = arith.mulf %mul3A_680, %mul3A_677 : vector<16xf32>
      %mul3A_682 = arith.mulf %mul3A_681, %mul3A_677 : vector<16xf32>
      %sub3A_683 = arith.constant 1.500000e+00 : f32
      %sub3A_684 = vector.broadcast %sub3A_683 : f32 to vector<16xf32>
      %sub3A_685 = arith.subf %sub3A_684, %mul3A_682 : vector<16xf32>
      %mul3A_686 = arith.mulf %mul3A_677, %sub3A_685 : vector<16xf32>
      %mul3A_687 = arith.constant 5.000000e-01 : f32
      %mul3A_688 = vector.broadcast %mul3A_687 : f32 to vector<16xf32>
      %mul3A_689 = arith.mulf %mul3A_688, %add3A_660 : vector<16xf32>
      %mul3A_690 = arith.mulf %mul3A_689, %mul3A_686 : vector<16xf32>
      %mul3A_691 = arith.mulf %mul3A_690, %mul3A_686 : vector<16xf32>
      %sub3A_692 = arith.constant 1.500000e+00 : f32
      %sub3A_693 = vector.broadcast %sub3A_692 : f32 to vector<16xf32>
      %sub3A_694 = arith.subf %sub3A_693, %mul3A_691 : vector<16xf32>
      %mul3A_695 = arith.mulf %mul3A_686, %sub3A_694 : vector<16xf32>
      %add3A_696 = arith.constant 6 : i32
      %add3A_697 = vector.broadcast %add3A_696 : i32 to vector<16xi32>
      %add3A_698 = arith.addi %broadcast_in_dim3A_35, %add3A_697 : vector<16xi32>
      %gather3A_699 = tpu.vector_load_idx %arg17[%iota3A, %add3A_698] : memref<16x8xf32, #tpu.memory_space<vmem>>[vector<16xi32>, vector<16xi32>], vector<16xf32>,
      %add3A_700 = arith.constant 6 : i32
      %add3A_701 = vector.broadcast %add3A_700 : i32 to vector<16xi32>
      %add3A_702 = arith.addi %broadcast_in_dim3A_35, %add3A_701 : vector<16xi32>
      %gather3A_703 = tpu.vector_load_idx %arg18[%iota3A, %add3A_702] : memref<16x8xf32, #tpu.memory_space<vmem>>[vector<16xi32>, vector<16xi32>], vector<16xf32>,
      %mul3A_704 = arith.mulf %gather3A_699, %mul3A_695 : vector<16xf32>
      %mul3A_705 = arith.mulf %div3A_650, %mul3A_704 : vector<16xf32>
      %sub3A_706 = arith.subf %gather3A_703, %mul3A_705 : vector<16xf32>
      %add3A_707 = arith.constant 6 : i32
      %add3A_708 = vector.broadcast %add3A_707 : i32 to vector<16xi32>
      %add3A_709 = arith.addi %broadcast_in_dim3A_35, %add3A_708 : vector<16xi32>
      tpu.vector_store_idx %arg22[%iota3A, %add3A_709], %mul3A_704 : memref<16x8xf32, #tpu.memory_space<vmem>>[vector<16xi32>, vector<16xi32>], vector<16xf32>,
      tpu.vector_store_idx %arg23[%iota3A, %add3A_709], %sub3A_706 : memref<16x8xf32, #tpu.memory_space<vmem>>[vector<16xi32>, vector<16xi32>], vector<16xf32>,
      %get3A_710 = arith.constant 7 : i32
      %get3A_711 = arith.index_cast %get3A_710 : i32 to index
      %get3A_712 = arith.constant 0 : index
      %get3A_713 = tpu.vector_load %arg21[%get3A_711, %get3A_712] {strides = array<i32>} : memref<8x16xf32, #tpu.memory_space<vmem>>, vector<16xf32>,
      %mul3A_714 = arith.constant 1.960000e+02 : f32
      %mul3A_715 = vector.broadcast %mul3A_714 : f32 to vector<16xf32>
      %mul3A_716 = arith.mulf %get3A_713, %mul3A_715 : vector<16xf32>
      %max3A_717 = arith.constant 1.000000e+00 : f32
      %max3A_718 = vector.broadcast %max3A_717 : f32 to vector<16xf32>
      %max3A_719 = arith.maximumf %mul3A_716, %max3A_718 : vector<16xf32>
      %get3A_720 = arith.constant 7 : i32
      %get3A_721 = arith.index_cast %get3A_720 : i32 to index
      %get3A_722 = arith.constant 0 : index
      %get3A_723 = tpu.vector_load %arg19[%get3A_721, %get3A_722] {strides = array<i32>} : memref<8x16xf32, #tpu.memory_space<vmem>>, vector<16xf32>,
      %div3A_724 = arith.divf %get3A_723, %max3A_719 : vector<16xf32>
      %get3A_725 = arith.constant 7 : i32
      %get3A_726 = arith.index_cast %get3A_725 : i32 to index
      %get3A_727 = arith.constant 0 : index
      %get3A_728 = tpu.vector_load %arg20[%get3A_726, %get3A_727] {strides = array<i32>} : memref<8x16xf32, #tpu.memory_space<vmem>>, vector<16xf32>,
      %div3A_729 = arith.divf %get3A_728, %max3A_719 : vector<16xf32>
      %mul3A_730 = arith.mulf %div3A_724, %div3A_724 : vector<16xf32>
      %sub3A_731 = arith.subf %div3A_729, %mul3A_730 : vector<16xf32>
      %add3A_732 = arith.constant 9.99999974E-6 : f32
      %add3A_733 = vector.broadcast %add3A_732 : f32 to vector<16xf32>
      %add3A_734 = arith.addf %sub3A_731, %add3A_733 : vector<16xf32>
      %bitcast3A_735 = vector.bitcast %add3A_734 : vector<16xf32> to vector<16xi32>
      %shift_right_logical3A_736 = arith.constant 1 : i32
      %shift_right_logical3A_737 = vector.broadcast %shift_right_logical3A_736 : i32 to vector<16xi32>
      %shift_right_logical3A_738 = arith.shrui %bitcast3A_735, %shift_right_logical3A_737 : vector<16xi32>
      %sub3A_739 = arith.constant 1597463007 : i32
      %sub3A_740 = vector.broadcast %sub3A_739 : i32 to vector<16xi32>
      %sub3A_741 = arith.subi %sub3A_740, %shift_right_logical3A_738 : vector<16xi32>
      %bitcast3A_742 = vector.bitcast %sub3A_741 : vector<16xi32> to vector<16xf32>
      %mul3A_743 = arith.constant 5.000000e-01 : f32
      %mul3A_744 = vector.broadcast %mul3A_743 : f32 to vector<16xf32>
      %mul3A_745 = arith.mulf %mul3A_744, %add3A_734 : vector<16xf32>
      %mul3A_746 = arith.mulf %mul3A_745, %bitcast3A_742 : vector<16xf32>
      %mul3A_747 = arith.mulf %mul3A_746, %bitcast3A_742 : vector<16xf32>
      %sub3A_748 = arith.constant 1.500000e+00 : f32
      %sub3A_749 = vector.broadcast %sub3A_748 : f32 to vector<16xf32>
      %sub3A_750 = arith.subf %sub3A_749, %mul3A_747 : vector<16xf32>
      %mul3A_751 = arith.mulf %bitcast3A_742, %sub3A_750 : vector<16xf32>
      %mul3A_752 = arith.constant 5.000000e-01 : f32
      %mul3A_753 = vector.broadcast %mul3A_752 : f32 to vector<16xf32>
      %mul3A_754 = arith.mulf %mul3A_753, %add3A_734 : vector<16xf32>
      %mul3A_755 = arith.mulf %mul3A_754, %mul3A_751 : vector<16xf32>
      %mul3A_756 = arith.mulf %mul3A_755, %mul3A_751 : vector<16xf32>
      %sub3A_757 = arith.constant 1.500000e+00 : f32
      %sub3A_758 = vector.broadcast %sub3A_757 : f32 to vector<16xf32>
      %sub3A_759 = arith.subf %sub3A_758, %mul3A_756 : vector<16xf32>
      %mul3A_760 = arith.mulf %mul3A_751, %sub3A_759 : vector<16xf32>
      %mul3A_761 = arith.constant 5.000000e-01 : f32
      %mul3A_762 = vector.broadcast %mul3A_761 : f32 to vector<16xf32>
      %mul3A_763 = arith.mulf %mul3A_762, %add3A_734 : vector<16xf32>
      %mul3A_764 = arith.mulf %mul3A_763, %mul3A_760 : vector<16xf32>
      %mul3A_765 = arith.mulf %mul3A_764, %mul3A_760 : vector<16xf32>
      %sub3A_766 = arith.constant 1.500000e+00 : f32
      %sub3A_767 = vector.broadcast %sub3A_766 : f32 to vector<16xf32>
      %sub3A_768 = arith.subf %sub3A_767, %mul3A_765 : vector<16xf32>
      %mul3A_769 = arith.mulf %mul3A_760, %sub3A_768 : vector<16xf32>
      %add3A_770 = arith.constant 7 : i32
      %add3A_771 = vector.broadcast %add3A_770 : i32 to vector<16xi32>
      %add3A_772 = arith.addi %broadcast_in_dim3A_35, %add3A_771 : vector<16xi32>
      %gather3A_773 = tpu.vector_load_idx %arg17[%iota3A, %add3A_772] : memref<16x8xf32, #tpu.memory_space<vmem>>[vector<16xi32>, vector<16xi32>], vector<16xf32>,
      %add3A_774 = arith.constant 7 : i32
      %add3A_775 = vector.broadcast %add3A_774 : i32 to vector<16xi32>
      %add3A_776 = arith.addi %broadcast_in_dim3A_35, %add3A_775 : vector<16xi32>
      %gather3A_777 = tpu.vector_load_idx %arg18[%iota3A, %add3A_776] : memref<16x8xf32, #tpu.memory_space<vmem>>[vector<16xi32>, vector<16xi32>], vector<16xf32>,
      %mul3A_778 = arith.mulf %gather3A_773, %mul3A_769 : vector<16xf32>
      %mul3A_779 = arith.mulf %div3A_724, %mul3A_778 : vector<16xf32>
      %sub3A_780 = arith.subf %gather3A_777, %mul3A_779 : vector<16xf32>
      %add3A_781 = arith.constant 7 : i32
      %add3A_782 = vector.broadcast %add3A_781 : i32 to vector<16xi32>
      %add3A_783 = arith.addi %broadcast_in_dim3A_35, %add3A_782 : vector<16xi32>
      tpu.vector_store_idx %arg22[%iota3A, %add3A_783], %mul3A_778 : memref<16x8xf32, #tpu.memory_space<vmem>>[vector<16xi32>, vector<16xi32>], vector<16xf32>,
      tpu.vector_store_idx %arg23[%iota3A, %add3A_783], %sub3A_780 : memref<16x8xf32, #tpu.memory_space<vmem>>[vector<16xi32>, vector<16xi32>], vector<16xf32>,
      "tpu.region"() ({
        %run_scoped3A = tpu.sem_alloc : memref<!tpu.dma_semaphore, #tpu.memory_space<semaphore_mem>>
        %dma_start3A_789 = arith.constant 0 : i32
        %dma_start3A_790 = tpu.memref_slice %arg9[%mul3A_4, %dma_start3A_789] : memref<384x8xf32, #tpu.memory_space<hbm>> -> memref<16x8xf32, #tpu.memory_space<hbm>>
        %dma_start3A_791 = arith.constant 0 : i32
        %dma_start3A_792 = tpu.memref_slice %arg9[%mul3A_4, %dma_start3A_791] : memref<384x8xf32, #tpu.memory_space<hbm>> -> memref<16x8xf32, #tpu.memory_space<hbm>>
        tpu.enqueue_dma source(%arg22 : memref<16x8xf32, #tpu.memory_space<vmem>>) target(%dma_start3A_792 : memref<16x8xf32, #tpu.memory_space<hbm>>) target_semaphore(%run_scoped3A : memref<!tpu.dma_semaphore, #tpu.memory_space<semaphore_mem>>)
        %dma_wait3A_793 = arith.constant 0 : i32
        %dma_wait3A_794 = tpu.memref_slice %arg9[%mul3A_4, %dma_wait3A_793] : memref<384x8xf32, #tpu.memory_space<hbm>> -> memref<16x8xf32, #tpu.memory_space<hbm>>
        %dma_wait3A_795 = arith.constant 0 : i32
        %dma_wait3A_796 = tpu.memref_slice %arg9[%mul3A_4, %dma_wait3A_795] : memref<384x8xf32, #tpu.memory_space<hbm>> -> memref<16x8xf32, #tpu.memory_space<hbm>>
        tpu.wait_dma2 semaphore(%run_scoped3A : memref<!tpu.dma_semaphore, #tpu.memory_space<semaphore_mem>>) src(%arg22 : memref<16x8xf32, #tpu.memory_space<vmem>>) dst(%dma_wait3A_796 : memref<16x8xf32, #tpu.memory_space<hbm>>)
        tpu.yield
      }) : () -> ()
      "tpu.region"() ({
        %run_scoped3A = tpu.sem_alloc : memref<!tpu.dma_semaphore, #tpu.memory_space<semaphore_mem>>
        %dma_start3A_789 = arith.constant 0 : i32
        %dma_start3A_790 = tpu.memref_slice %arg10[%mul3A_4, %dma_start3A_789] : memref<384x8xf32, #tpu.memory_space<hbm>> -> memref<16x8xf32, #tpu.memory_space<hbm>>
        %dma_start3A_791 = arith.constant 0 : i32
        %dma_start3A_792 = tpu.memref_slice %arg10[%mul3A_4, %dma_start3A_791] : memref<384x8xf32, #tpu.memory_space<hbm>> -> memref<16x8xf32, #tpu.memory_space<hbm>>
        tpu.enqueue_dma source(%arg23 : memref<16x8xf32, #tpu.memory_space<vmem>>) target(%dma_start3A_792 : memref<16x8xf32, #tpu.memory_space<hbm>>) target_semaphore(%run_scoped3A : memref<!tpu.dma_semaphore, #tpu.memory_space<semaphore_mem>>)
        %dma_wait3A_793 = arith.constant 0 : i32
        %dma_wait3A_794 = tpu.memref_slice %arg10[%mul3A_4, %dma_wait3A_793] : memref<384x8xf32, #tpu.memory_space<hbm>> -> memref<16x8xf32, #tpu.memory_space<hbm>>
        %dma_wait3A_795 = arith.constant 0 : i32
        %dma_wait3A_796 = tpu.memref_slice %arg10[%mul3A_4, %dma_wait3A_795] : memref<384x8xf32, #tpu.memory_space<hbm>> -> memref<16x8xf32, #tpu.memory_space<hbm>>
        tpu.wait_dma2 semaphore(%run_scoped3A : memref<!tpu.dma_semaphore, #tpu.memory_space<semaphore_mem>>) src(%arg23 : memref<16x8xf32, #tpu.memory_space<vmem>>) dst(%dma_wait3A_796 : memref<16x8xf32, #tpu.memory_space<hbm>>)
        tpu.yield
      }) : () -> ()
      %eq3A_784 = arith.constant 0 : i32
      %eq3A_785 = arith.cmpi eq, %add3A, %eq3A_784 : i32
      %convert_element_type3A_786 = arith.extui %eq3A_785 : i1 to i32
      %cond3A_787 = arith.constant 0 : i32
      %cond3A_788 = arith.cmpi ne, %convert_element_type3A_786, %cond3A_787 : i32
      scf.if %cond3A_788 {
        "tpu.region"() ({
          %run_scoped3A = tpu.sem_alloc : memref<!tpu.dma_semaphore, #tpu.memory_space<semaphore_mem>>
          tpu.enqueue_dma source(%arg24 : memref<64x8xf32, #tpu.memory_space<vmem>>) target(%arg11 : memref<64x8xf32, #tpu.memory_space<hbm>>) target_semaphore(%run_scoped3A : memref<!tpu.dma_semaphore, #tpu.memory_space<semaphore_mem>>)
          tpu.wait_dma2 semaphore(%run_scoped3A : memref<!tpu.dma_semaphore, #tpu.memory_space<semaphore_mem>>) src(%arg24 : memref<64x8xf32, #tpu.memory_space<vmem>>) dst(%arg11 : memref<64x8xf32, #tpu.memory_space<hbm>>)
          tpu.yield
        }) : () -> ()
      } else {
      }
    } else {
    }
    return
  }
}

module attributes {stable_mosaic.version = 14 : i64} {
  func.func @_stage_c_body(%arg0: i32, %arg1: memref<7x14x64x384xf32, #tpu.memory_space<vmem>>, %arg2: memref<384x8xf32, #tpu.memory_space<vmem>>, %arg3: memref<384x8xf32, #tpu.memory_space<vmem>>, %arg4: memref<64x8xf32, #tpu.memory_space<vmem>>, %arg5: memref<7x14x64x384xf32, #tpu.memory_space<vmem>>) attributes {dimension_semantics = [#tpu.dimension_semantics<arbitrary>], iteration_bounds = array<i64: 2>, scalar_prefetch = 0 : i64, scratch_operands = 0 : i64, tpu.core_type = #tpu.core_type<tc>, window_params = [{transform_indices = @transform_0, window_bounds = array<i64: 7, 14, 64, 384>}, {pipeline_mode = #tpu.pipeline_mode<synchronous>, transform_indices = @transform_1, window_bounds = array<i64: 384, 8>}, {pipeline_mode = #tpu.pipeline_mode<synchronous>, transform_indices = @transform_2, window_bounds = array<i64: 384, 8>}, {pipeline_mode = #tpu.pipeline_mode<synchronous>, transform_indices = @transform_3, window_bounds = array<i64: 64, 8>}, {transform_indices = @transform_4, window_bounds = array<i64: 7, 14, 64, 384>}]} {
    %get3A = arith.constant 0 : index
    %get3A_0 = arith.constant 0 : index
    %get3A_1 = arith.constant 0 : index
    %get3A_2 = arith.constant 0 : index
    %get3A_3 = vector.load %arg1[%get3A, %get3A_0, %get3A_1, %get3A_2] : memref<7x14x64x384xf32, #tpu.memory_space<vmem>>, vector<7x14x64x384xf32>
    %get3A_4 = arith.constant 0 : index
    %get3A_5 = arith.constant 0 : index
    %get3A_6 = vector.load %arg4[%get3A_4, %get3A_5] : memref<64x8xf32, #tpu.memory_space<vmem>>, vector<64x8xf32>
    %get3A_7 = arith.constant 0 : index
    %get3A_8 = arith.constant 0 : index
    %get3A_9 = vector.load %arg2[%get3A_7, %get3A_8] : memref<384x8xf32, #tpu.memory_space<vmem>>, vector<384x8xf32>
    %dot_general3A = arith.constant dense<0.000000e+00> : vector<64x384xf32>
    %dot_general3A_10 = tpu.matmul %get3A_6, %get3A_9, %dot_general3A {dimension_numbers = #tpu.dot_dimension_numbers<[1], [1], [0], [0], [0, 0, 1, 0], [], []>, precision = #tpu.contract_precision<fp32>, transpose_lhs_hint = false} : vector<64x8xf32>, vector<384x8xf32>, vector<64x384xf32> -> vector<64x384xf32>
    %get3A_11 = arith.constant 0 : index
    %get3A_12 = arith.constant 0 : index
    %get3A_13 = vector.load %arg3[%get3A_11, %get3A_12] : memref<384x8xf32, #tpu.memory_space<vmem>>, vector<384x8xf32>
    %dot_general3A_14 = arith.constant dense<0.000000e+00> : vector<64x384xf32>
    %dot_general3A_15 = tpu.matmul %get3A_6, %get3A_13, %dot_general3A_14 {dimension_numbers = #tpu.dot_dimension_numbers<[1], [1], [0], [0], [0, 0, 1, 0], [], []>, precision = #tpu.contract_precision<fp32>, transpose_lhs_hint = false} : vector<64x8xf32>, vector<384x8xf32>, vector<64x384xf32> -> vector<64x384xf32>
    %broadcast_in_dim3A = vector.shape_cast %dot_general3A_10 : vector<64x384xf32> to vector<1x1x64x384xf32>
    %mul3A = vector.broadcast %broadcast_in_dim3A : vector<1x1x64x384xf32> to vector<7x14x64x384xf32>
    %mul3A_16 = arith.mulf %get3A_3, %mul3A : vector<7x14x64x384xf32>
    %broadcast_in_dim3A_17 = vector.shape_cast %dot_general3A_15 : vector<64x384xf32> to vector<1x1x64x384xf32>
    %add3A = vector.broadcast %broadcast_in_dim3A_17 : vector<1x1x64x384xf32> to vector<7x14x64x384xf32>
    %add3A_18 = arith.addf %mul3A_16, %add3A : vector<7x14x64x384xf32>
    %swap3A = arith.constant 0 : index
    %swap3A_19 = arith.constant 0 : index
    %swap3A_20 = arith.constant 0 : index
    %swap3A_21 = arith.constant 0 : index
    %swap3A_22 = vector.load %arg5[%swap3A, %swap3A_19, %swap3A_20, %swap3A_21] : memref<7x14x64x384xf32, #tpu.memory_space<vmem>>, vector<7x14x64x384xf32>
    tpu.vector_store %arg5[%swap3A, %swap3A_19, %swap3A_20, %swap3A_21], %add3A_18 {strides = array<i32>} : memref<7x14x64x384xf32, #tpu.memory_space<vmem>>, vector<7x14x64x384xf32>,
    return
  }
  func.func @transform_0(%arg0: i32) -> (i32, i32, i32, i32) {
    %c0_i32 = arith.constant 0 : i32
    %c0_i32_0 = arith.constant 0 : i32
    %c0_i32_1 = arith.constant 0 : i32
    %c0_i32_2 = arith.constant 0 : i32
    return %arg0, %c0_i32, %c0_i32_0, %c0_i32_1 : i32, i32, i32, i32
  }
  func.func @transform_1(%arg0: i32) -> (i32, i32) {
    %c0_i32 = arith.constant 0 : i32
    %c0_i32_0 = arith.constant 0 : i32
    %c0_i32_1 = arith.constant 0 : i32
    return %c0_i32, %c0_i32_0 : i32, i32
  }
  func.func @transform_2(%arg0: i32) -> (i32, i32) {
    %c0_i32 = arith.constant 0 : i32
    %c0_i32_0 = arith.constant 0 : i32
    %c0_i32_1 = arith.constant 0 : i32
    return %c0_i32, %c0_i32_0 : i32, i32
  }
  func.func @transform_3(%arg0: i32) -> (i32, i32) {
    %c0_i32 = arith.constant 0 : i32
    %c0_i32_0 = arith.constant 0 : i32
    %c0_i32_1 = arith.constant 0 : i32
    return %c0_i32, %c0_i32_0 : i32, i32
  }
  func.func @transform_4(%arg0: i32) -> (i32, i32, i32, i32) {
    %c0_i32 = arith.constant 0 : i32
    %c0_i32_0 = arith.constant 0 : i32
    %c0_i32_1 = arith.constant 0 : i32
    %c0_i32_2 = arith.constant 0 : i32
    return %arg0, %c0_i32, %c0_i32_0, %c0_i32_1 : i32, i32, i32, i32
  }
}

module attributes {stable_mosaic.version = 14 : i64} {
  func.func @_stage_a_body(%arg0: i32, %arg1: memref<98x8x384xf32, #tpu.memory_space<vmem>>, %arg2: memref<7x14x64x384xf32, #tpu.memory_space<vmem>>, %arg3: memref<8x384xf32, #tpu.memory_space<vmem>>, %arg4: memref<8x384xf32, #tpu.memory_space<vmem>>, %arg5: memref<8x64xf32, #tpu.memory_space<vmem>>, %arg6: memref<384x64xf32, #tpu.memory_space<vmem>>, %arg7: memref<384x64xf32, #tpu.memory_space<vmem>>, %arg8: memref<64x1xf32, #tpu.memory_space<vmem>>, %arg9: memref<8x1xf32, #tpu.memory_space<vmem>>, %arg10: memref<384x8xf32, #tpu.memory_space<vmem>>, %arg11: memref<384x8xf32, #tpu.memory_space<vmem>>, %arg12: memref<64x384xf32, #tpu.memory_space<vmem>>, %arg13: memref<64x384xf32, #tpu.memory_space<vmem>>) attributes {dimension_semantics = [#tpu.dimension_semantics<arbitrary>], iteration_bounds = array<i64: 2>, scalar_prefetch = 0 : i64, scratch_operands = 2 : i64, tpu.core_type = #tpu.core_type<tc>, window_params = [{transform_indices = @transform_0, window_bounds = array<i64: 98, 8, 384>}, {transform_indices = @transform_1, window_bounds = array<i64: 7, 14, 64, 384>}, {pipeline_mode = #tpu.pipeline_mode<synchronous>, transform_indices = @transform_2, window_bounds = array<i64: 8, 384>}, {pipeline_mode = #tpu.pipeline_mode<synchronous>, transform_indices = @transform_3, window_bounds = array<i64: 8, 384>}, {pipeline_mode = #tpu.pipeline_mode<synchronous>, transform_indices = @transform_4, window_bounds = array<i64: 8, 64>}, {pipeline_mode = #tpu.pipeline_mode<synchronous>, transform_indices = @transform_5, window_bounds = array<i64: 384, 64>}, {pipeline_mode = #tpu.pipeline_mode<synchronous>, transform_indices = @transform_6, window_bounds = array<i64: 384, 64>}, {pipeline_mode = #tpu.pipeline_mode<synchronous>, transform_indices = @transform_7, window_bounds = array<i64: 64, 1>}, {pipeline_mode = #tpu.pipeline_mode<synchronous>, transform_indices = @transform_8, window_bounds = array<i64: 8, 1>}, {pipeline_mode = #tpu.pipeline_mode<synchronous>, transform_indices = @transform_9, window_bounds = array<i64: 384, 8>}, {pipeline_mode = #tpu.pipeline_mode<synchronous>, transform_indices = @transform_10, window_bounds = array<i64: 384, 8>}]} {
    %get3A = arith.constant 0 : index
    %get3A_0 = arith.constant 0 : index
    %get3A_1 = arith.constant 0 : index
    %get3A_2 = vector.load %arg1[%get3A, %get3A_0, %get3A_1] : memref<98x8x384xf32, #tpu.memory_space<vmem>>, vector<98x8x384xf32>
    %get3A_3 = arith.constant 0 : index
    %get3A_4 = arith.constant 0 : index
    %get3A_5 = arith.constant 0 : index
    %get3A_6 = arith.constant 0 : index
    %get3A_7 = vector.load %arg2[%get3A_3, %get3A_4, %get3A_5, %get3A_6] : memref<7x14x64x384xf32, #tpu.memory_space<vmem>>, vector<7x14x64x384xf32>
    %reshape3A = vector.shape_cast %get3A_7 : vector<7x14x64x384xf32> to vector<98x64x384xf32>
    %dot_general3A = arith.constant dense<0.000000e+00> : vector<98x8x64xf32>
    %dot_general3A_8 = tpu.matmul %get3A_2, %reshape3A, %dot_general3A {dimension_numbers = #tpu.dot_dimension_numbers<[2], [2], [1], [1], [0, 0, 0, 1, 1, 1], [0], [0]>, transpose_lhs_hint = false} : vector<98x8x384xf32>, vector<98x64x384xf32>, vector<98x8x64xf32> -> vector<98x8x64xf32>
    %reduce_sum3A = arith.constant dense<0.000000e+00> : vector<8x64xf32>
    %reduce_sum3A_9 = vector.multi_reduction <add>, %dot_general3A_8, %reduce_sum3A [0] : vector<98x8x64xf32> to vector<8x64xf32>
    %reduce_sum3A_10 = arith.constant dense<0.000000e+00> : vector<64x384xf32>
    %reduce_sum3A_11 = vector.multi_reduction <add>, %reshape3A, %reduce_sum3A_10 [0] : vector<98x64x384xf32> to vector<64x384xf32>
    %mul3A = arith.mulf %reshape3A, %reshape3A : vector<98x64x384xf32>
    %reduce_sum3A_12 = arith.constant dense<0.000000e+00> : vector<64x384xf32>
    %reduce_sum3A_13 = vector.multi_reduction <add>, %mul3A, %reduce_sum3A_12 [0] : vector<98x64x384xf32> to vector<64x384xf32>
    %mul3A_14 = arith.mulf %get3A_2, %get3A_2 : vector<98x8x384xf32>
    %reduce_sum3A_15 = arith.constant dense<0.000000e+00> : vector<8x384xf32>
    %reduce_sum3A_16 = vector.multi_reduction <add>, %mul3A_14, %reduce_sum3A_15 [0] : vector<98x8x384xf32> to vector<8x384xf32>
    %reduce_sum3A_17 = arith.constant dense<0.000000e+00> : vector<8xf32>
    %reduce_sum3A_18 = vector.multi_reduction <add>, %reduce_sum3A_16, %reduce_sum3A_17 [1] : vector<8x384xf32> to vector<8xf32>
    %broadcast_in_dim3A = vector.shape_cast %reduce_sum3A_18 : vector<8xf32> to vector<8x1xf32>
    %eq3A = arith.constant 0 : i32
    %eq3A_19 = arith.cmpi eq, %arg0, %eq3A : i32
    %convert_element_type3A = arith.extui %eq3A_19 : i1 to i32
    %cond3A = arith.constant 0 : i32
    %cond3A_20 = arith.cmpi ne, %convert_element_type3A, %cond3A : i32
    scf.if %cond3A_20 {
      %swap3A = arith.constant 0 : index
      %swap3A_30 = arith.constant 0 : index
      %swap3A_31 = vector.load %arg5[%swap3A, %swap3A_30] : memref<8x64xf32, #tpu.memory_space<vmem>>, vector<8x64xf32>
      tpu.vector_store %arg5[%swap3A, %swap3A_30], %reduce_sum3A_9 {strides = array<i32>} : memref<8x64xf32, #tpu.memory_space<vmem>>, vector<8x64xf32>,
      %swap3A_32 = arith.constant 0 : index
      %swap3A_33 = arith.constant 0 : index
      %swap3A_34 = vector.load %arg12[%swap3A_32, %swap3A_33] : memref<64x384xf32, #tpu.memory_space<vmem>>, vector<64x384xf32>
      tpu.vector_store %arg12[%swap3A_32, %swap3A_33], %reduce_sum3A_11 {strides = array<i32>} : memref<64x384xf32, #tpu.memory_space<vmem>>, vector<64x384xf32>,
      %swap3A_35 = arith.constant 0 : index
      %swap3A_36 = arith.constant 0 : index
      %swap3A_37 = vector.load %arg13[%swap3A_35, %swap3A_36] : memref<64x384xf32, #tpu.memory_space<vmem>>, vector<64x384xf32>
      tpu.vector_store %arg13[%swap3A_35, %swap3A_36], %reduce_sum3A_13 {strides = array<i32>} : memref<64x384xf32, #tpu.memory_space<vmem>>, vector<64x384xf32>,
      %swap3A_38 = arith.constant 0 : index
      %swap3A_39 = arith.constant 0 : index
      %swap3A_40 = vector.load %arg9[%swap3A_38, %swap3A_39] : memref<8x1xf32, #tpu.memory_space<vmem>>, vector<8x1xf32>
      tpu.vector_store %arg9[%swap3A_38, %swap3A_39], %broadcast_in_dim3A {strides = array<i32>} : memref<8x1xf32, #tpu.memory_space<vmem>>, vector<8x1xf32>,
    } else {
    }
    %gt3A = arith.constant 0 : i32
    %gt3A_21 = arith.cmpi sgt, %arg0, %gt3A : i32
    %convert_element_type3A_22 = arith.extui %gt3A_21 : i1 to i32
    %cond3A_23 = arith.constant 0 : i32
    %cond3A_24 = arith.cmpi ne, %convert_element_type3A_22, %cond3A_23 : i32
    scf.if %cond3A_24 {
      %get3A_30 = arith.constant 0 : index
      %get3A_31 = arith.constant 0 : index
      %get3A_32 = vector.load %arg5[%get3A_30, %get3A_31] : memref<8x64xf32, #tpu.memory_space<vmem>>, vector<8x64xf32>
      %add3A = arith.addf %get3A_32, %reduce_sum3A_9 : vector<8x64xf32>
      %swap3A = arith.constant 0 : index
      %swap3A_33 = arith.constant 0 : index
      %swap3A_34 = vector.load %arg5[%swap3A, %swap3A_33] : memref<8x64xf32, #tpu.memory_space<vmem>>, vector<8x64xf32>
      tpu.vector_store %arg5[%swap3A, %swap3A_33], %add3A {strides = array<i32>} : memref<8x64xf32, #tpu.memory_space<vmem>>, vector<8x64xf32>,
      %get3A_35 = arith.constant 0 : index
      %get3A_36 = arith.constant 0 : index
      %get3A_37 = vector.load %arg12[%get3A_35, %get3A_36] : memref<64x384xf32, #tpu.memory_space<vmem>>, vector<64x384xf32>
      %add3A_38 = arith.addf %get3A_37, %reduce_sum3A_11 : vector<64x384xf32>
      %swap3A_39 = arith.constant 0 : index
      %swap3A_40 = arith.constant 0 : index
      %swap3A_41 = vector.load %arg12[%swap3A_39, %swap3A_40] : memref<64x384xf32, #tpu.memory_space<vmem>>, vector<64x384xf32>
      tpu.vector_store %arg12[%swap3A_39, %swap3A_40], %add3A_38 {strides = array<i32>} : memref<64x384xf32, #tpu.memory_space<vmem>>, vector<64x384xf32>,
      %get3A_42 = arith.constant 0 : index
      %get3A_43 = arith.constant 0 : index
      %get3A_44 = vector.load %arg13[%get3A_42, %get3A_43] : memref<64x384xf32, #tpu.memory_space<vmem>>, vector<64x384xf32>
      %add3A_45 = arith.addf %get3A_44, %reduce_sum3A_13 : vector<64x384xf32>
      %swap3A_46 = arith.constant 0 : index
      %swap3A_47 = arith.constant 0 : index
      %swap3A_48 = vector.load %arg13[%swap3A_46, %swap3A_47] : memref<64x384xf32, #tpu.memory_space<vmem>>, vector<64x384xf32>
      tpu.vector_store %arg13[%swap3A_46, %swap3A_47], %add3A_45 {strides = array<i32>} : memref<64x384xf32, #tpu.memory_space<vmem>>, vector<64x384xf32>,
      %get3A_49 = arith.constant 0 : index
      %get3A_50 = arith.constant 0 : index
      %get3A_51 = vector.load %arg9[%get3A_49, %get3A_50] : memref<8x1xf32, #tpu.memory_space<vmem>>, vector<8x1xf32>
      %add3A_52 = arith.addf %get3A_51, %broadcast_in_dim3A : vector<8x1xf32>
      %swap3A_53 = arith.constant 0 : index
      %swap3A_54 = arith.constant 0 : index
      %swap3A_55 = vector.load %arg9[%swap3A_53, %swap3A_54] : memref<8x1xf32, #tpu.memory_space<vmem>>, vector<8x1xf32>
      tpu.vector_store %arg9[%swap3A_53, %swap3A_54], %add3A_52 {strides = array<i32>} : memref<8x1xf32, #tpu.memory_space<vmem>>, vector<8x1xf32>,
    } else {
    }
    %eq3A_25 = arith.constant 1 : i32
    %eq3A_26 = arith.cmpi eq, %arg0, %eq3A_25 : i32
    %convert_element_type3A_27 = arith.extui %eq3A_26 : i1 to i32
    %cond3A_28 = arith.constant 0 : i32
    %cond3A_29 = arith.cmpi ne, %convert_element_type3A_27, %cond3A_28 : i32
    scf.if %cond3A_29 {
      %get3A_30 = arith.constant 0 : index
      %get3A_31 = arith.constant 0 : index
      %get3A_32 = vector.load %arg13[%get3A_30, %get3A_31] : memref<64x384xf32, #tpu.memory_space<vmem>>, vector<64x384xf32>
      %get3A_33 = arith.constant 0 : index
      %get3A_34 = arith.constant 0 : index
      %get3A_35 = vector.load %arg12[%get3A_33, %get3A_34] : memref<64x384xf32, #tpu.memory_space<vmem>>, vector<64x384xf32>
      %transpose3A = tpu.transpose %get3A_35, [1, 0] : vector<64x384xf32> -> vector<384x64xf32>
      %swap3A = arith.constant 0 : index
      %swap3A_36 = arith.constant 0 : index
      %swap3A_37 = vector.load %arg6[%swap3A, %swap3A_36] : memref<384x64xf32, #tpu.memory_space<vmem>>, vector<384x64xf32>
      tpu.vector_store %arg6[%swap3A, %swap3A_36], %transpose3A {strides = array<i32>} : memref<384x64xf32, #tpu.memory_space<vmem>>, vector<384x64xf32>,
      %transpose3A_38 = tpu.transpose %get3A_32, [1, 0] : vector<64x384xf32> -> vector<384x64xf32>
      %swap3A_39 = arith.constant 0 : index
      %swap3A_40 = arith.constant 0 : index
      %swap3A_41 = vector.load %arg7[%swap3A_39, %swap3A_40] : memref<384x64xf32, #tpu.memory_space<vmem>>, vector<384x64xf32>
      tpu.vector_store %arg7[%swap3A_39, %swap3A_40], %transpose3A_38 {strides = array<i32>} : memref<384x64xf32, #tpu.memory_space<vmem>>, vector<384x64xf32>,
      %reduce_sum3A_42 = arith.constant dense<0.000000e+00> : vector<64xf32>
      %reduce_sum3A_43 = vector.multi_reduction <add>, %get3A_32, %reduce_sum3A_42 [1] : vector<64x384xf32> to vector<64xf32>
      %broadcast_in_dim3A_44 = vector.shape_cast %reduce_sum3A_43 : vector<64xf32> to vector<64x1xf32>
      %swap3A_45 = arith.constant 0 : index
      %swap3A_46 = arith.constant 0 : index
      %swap3A_47 = vector.load %arg8[%swap3A_45, %swap3A_46] : memref<64x1xf32, #tpu.memory_space<vmem>>, vector<64x1xf32>
      tpu.vector_store %arg8[%swap3A_45, %swap3A_46], %broadcast_in_dim3A_44 {strides = array<i32>} : memref<64x1xf32, #tpu.memory_space<vmem>>, vector<64x1xf32>,
      %get3A_48 = arith.constant 0 : index
      %get3A_49 = arith.constant 0 : index
      %get3A_50 = vector.load %arg3[%get3A_48, %get3A_49] : memref<8x384xf32, #tpu.memory_space<vmem>>, vector<8x384xf32>
      %transpose3A_51 = tpu.transpose %get3A_50, [1, 0] : vector<8x384xf32> -> vector<384x8xf32>
      %swap3A_52 = arith.constant 0 : index
      %swap3A_53 = arith.constant 0 : index
      %swap3A_54 = vector.load %arg10[%swap3A_52, %swap3A_53] : memref<384x8xf32, #tpu.memory_space<vmem>>, vector<384x8xf32>
      tpu.vector_store %arg10[%swap3A_52, %swap3A_53], %transpose3A_51 {strides = array<i32>} : memref<384x8xf32, #tpu.memory_space<vmem>>, vector<384x8xf32>,
      %get3A_55 = arith.constant 0 : index
      %get3A_56 = arith.constant 0 : index
      %get3A_57 = vector.load %arg4[%get3A_55, %get3A_56] : memref<8x384xf32, #tpu.memory_space<vmem>>, vector<8x384xf32>
      %transpose3A_58 = tpu.transpose %get3A_57, [1, 0] : vector<8x384xf32> -> vector<384x8xf32>
      %swap3A_59 = arith.constant 0 : index
      %swap3A_60 = arith.constant 0 : index
      %swap3A_61 = vector.load %arg11[%swap3A_59, %swap3A_60] : memref<384x8xf32, #tpu.memory_space<vmem>>, vector<384x8xf32>
      tpu.vector_store %arg11[%swap3A_59, %swap3A_60], %transpose3A_58 {strides = array<i32>} : memref<384x8xf32, #tpu.memory_space<vmem>>, vector<384x8xf32>,
    } else {
    }
    return
  }
  func.func @transform_0(%arg0: i32) -> (i32, i32, i32) {
    %c0_i32 = arith.constant 0 : i32
    %c0_i32_0 = arith.constant 0 : i32
    %c0_i32_1 = arith.constant 0 : i32
    return %arg0, %c0_i32, %c0_i32_0 : i32, i32, i32
  }
  func.func @transform_1(%arg0: i32) -> (i32, i32, i32, i32) {
    %c0_i32 = arith.constant 0 : i32
    %c0_i32_0 = arith.constant 0 : i32
    %c0_i32_1 = arith.constant 0 : i32
    %c0_i32_2 = arith.constant 0 : i32
    return %arg0, %c0_i32, %c0_i32_0, %c0_i32_1 : i32, i32, i32, i32
  }
  func.func @transform_2(%arg0: i32) -> (i32, i32) {
    %c0_i32 = arith.constant 0 : i32
    %c0_i32_0 = arith.constant 0 : i32
    %c0_i32_1 = arith.constant 0 : i32
    return %c0_i32, %c0_i32_0 : i32, i32
  }
  func.func @transform_3(%arg0: i32) -> (i32, i32) {
    %c0_i32 = arith.constant 0 : i32
    %c0_i32_0 = arith.constant 0 : i32
    %c0_i32_1 = arith.constant 0 : i32
    return %c0_i32, %c0_i32_0 : i32, i32
  }
  func.func @transform_4(%arg0: i32) -> (i32, i32) {
    %c0_i32 = arith.constant 0 : i32
    %c0_i32_0 = arith.constant 0 : i32
    %c0_i32_1 = arith.constant 0 : i32
    return %c0_i32, %c0_i32_0 : i32, i32
  }
  func.func @transform_5(%arg0: i32) -> (i32, i32) {
    %c0_i32 = arith.constant 0 : i32
    %c0_i32_0 = arith.constant 0 : i32
    %c0_i32_1 = arith.constant 0 : i32
    return %c0_i32, %c0_i32_0 : i32, i32
  }
  func.func @transform_6(%arg0: i32) -> (i32, i32) {
    %c0_i32 = arith.constant 0 : i32
    %c0_i32_0 = arith.constant 0 : i32
    %c0_i32_1 = arith.constant 0 : i32
    return %c0_i32, %c0_i32_0 : i32, i32
  }
  func.func @transform_7(%arg0: i32) -> (i32, i32) {
    %c0_i32 = arith.constant 0 : i32
    %c0_i32_0 = arith.constant 0 : i32
    %c0_i32_1 = arith.constant 0 : i32
    return %c0_i32, %c0_i32_0 : i32, i32
  }
  func.func @transform_8(%arg0: i32) -> (i32, i32) {
    %c0_i32 = arith.constant 0 : i32
    %c0_i32_0 = arith.constant 0 : i32
    %c0_i32_1 = arith.constant 0 : i32
    return %c0_i32, %c0_i32_0 : i32, i32
  }
  func.func @transform_9(%arg0: i32) -> (i32, i32) {
    %c0_i32 = arith.constant 0 : i32
    %c0_i32_0 = arith.constant 0 : i32
    %c0_i32_1 = arith.constant 0 : i32
    return %c0_i32, %c0_i32_0 : i32, i32
  }
  func.func @transform_10(%arg0: i32) -> (i32, i32) {
    %c0_i32 = arith.constant 0 : i32
    %c0_i32_0 = arith.constant 0 : i32
    %c0_i32_1 = arith.constant 0 : i32
    return %c0_i32, %c0_i32_0 : i32, i32
  }
}

</mosaic_0001>

<sc_bundles>
// kernel: kernel.5.cloned.1.call-start
scs
__scs_entry_jumppad:
0x0: {  	(pc) =	sbr.rel $0x88, $3  }
0x1: {  	(tag) =	ssettag $0x0;
	lr =	simm.s32 $0x1  }
0x2: {  	[smem:$0x3F9D] =	sst lr;
	_ =	strace $0xD0000000  }
0x3: {  	_ = 	snop  }
0x4: {  	_ = 	snop  }
0x5: {  	_ = 	snop  }
0x6: {  	_ = 	snop  }
0x7: {  	_ = 	snop  }
__scs_overlays_trampoline_lowered:
0x8: {  	[smem:$0x3FAC] =	sst s0  }
0x9: {  	[smem:$0x3FAD] =	sst s1  }
0xa: {  	[smem:$0x3FAE] =	sst s2  }
0xb: {  	[smem:$0x3FAF] =	sst s3  }
0xc: {  	[smem:$0x3FB0] =	sst s4  }
0xd: {  	[smem:$0x3FB1] =	sst s5  }
0xe: {  	[smem:$0x3FB2] =	sst s6  }
0xf: {  	[smem:$0x3FB3] =	sst s7  }
0x10: {  	[smem:$0x3FB4] =	sst s8  }
0x11: {  	[smem:$0x3FB5] =	sst s9;
	s0 =	simm.s32 @!p0 $0x0  }
0x12: {  	s1 =	sld [smem:$0x3F9B];
	s0 =	simm.s32 @p0 $0x1  }
0x13: {  	[smem:$0x3FB6] =	sst s0;
	s0 =	simm.s32 @!p1 $0x0  }
0x14: {  	s2 =	sld [smem:$0x3F9A];
	s0 =	simm.s32 @p1 $0x1  }
0x15: {  	[smem:$0x3FB7] =	sst s0;
	s0 =	simm.s32 @!p2 $0x0  }
0x16: {  	s3 =	sld [smem:$0x3FDB];
	s0 =	simm.s32 @p2 $0x1  }
0x17: {  	s4 =	simm.s32 $0x1BF5;
	[smem:$0x3FB9] =	sst s0  }
0x18: {  	s0 =	sld [smem:$0x3F9C];
	_ =	swait.ge [sflag:s4], $0x0  }
0x19: {  	s7 =	sld [smem:$0x3F9D]  }
0x1a: {  	s8 =	sadd.s32 $0xFFFFE003, lr  }
0x1b: {  	s9 =	sadd.s32 $0xFFFFFEF7, lr;
	s5 =	simm.s32 $0xFFFFFFFF;
	p2 =	slt.u32 s8, $0xFFFFF086  }
0x1c: {  	p1 =	slt.u32 s9, $0xF7A;
	s5 =	simm.s32 @!p2 $0x0  }
0x1d: {  	s5 =	simm.s32 @p1 $0x1;
	p0 =	seq.s32 s7, s2  }
0x1e: {  	s7 =	smul.u32 @!p0 $0xF7A, s2;
	p2 =	seq.s32 @!p0 s5, $0x0  }
0x1f: {  	s9 =	smul.u32 $0xF7A, s1;
	s8 =	simm.s32 @!p0 $0x1BF5;
	p2 =	por !p2, p0  }
0x20: {  	[sflag:s8] =	ssyncset.s32 @!p0 $0xFFFFF086;
	s6 =	sadd.s32 @!p0 s3, s7;
	s7 =	simm.s32 @!p0 $0x108  }
0x21: {  	s3 =	sadd.s32 s3, s9;
	s6 =	sadd.s32 @!p0 $0x88, s6;
	s7 =	simm.s32 @p2 $0x1082  }
0x22: {  	[simem:s7], [sflag:s8] =	dma.local @!p0 [hbm:s6], $0xF7A  }
0x23: {  	s9 =	sor.u32 $0xD0000000, s2;
	s6 =	simm.s32 $0x108;
	_ =	swait.ge @!p0 [sflag:s8], $0x0  }
0x24: {  	s3 =	sadd.s32 $0x88, s3;
	s6 =	simm.s32 @!p1 $0x1082;
	[sflag:s4] =	ssyncset.s32 $0xFFFFF086  }
0x25: {  	[simem:s6], [sflag:s4] =	dma.local [hbm:s3], $0xF7A  }
0x26: {  	[smem:$0x3F9D] =	sst s1;
	(tag) =	ssettag s2;
	_ =	strace s9  }
0x27: {  	s1 =	sld [smem:$0x3FAD]  }
0x28: {  	s2 =	sld [smem:$0x3FAE]  }
0x29: {  	s4 =	sld [smem:$0x3FB0]  }
0x2a: {  	p0 =	seq.s32 s5, $0x0;
	s5 =	sld [smem:$0x3FB1]  }
0x2b: {  	s6 =	sld [smem:$0x3FB2]  }
0x2c: {  	s7 =	sld [smem:$0x3FB3]  }
0x2d: {  	s3 =	simm.s32 $0x108;
	s8 =	sld [smem:$0x3FB4]  }
0x2e: {  	s3 =	simm.s32 @!p0 $0x1082;
	s9 =	sld [smem:$0x3FB5]  }
0x2f: {  	lr =	sadd.s32 s0, s3;
	s0 =	sld [smem:$0x3FAC]  }
0x30: {  	s3 =	sld [smem:$0x3FAF]  }
0x31: {  	[smem:$0x3FB8] =	sst s10  }
0x32: {  	s10 =	sld [smem:$0x3FB6];
	_ =	sdelay $0x3  }
0x33: {  	p0 =	seq.s32 s10, $0x1;
	s10 =	sld [smem:$0x3FB8];
	_ =	sdelay $0x3  }
0x34: {  	[smem:$0x3FB8] =	sst s10  }
0x35: {  	s10 =	sld [smem:$0x3FB7];
	_ =	sdelay $0x3  }
0x36: {  	p1 =	seq.s32 s10, $0x1;
	s10 =	sld [smem:$0x3FB8];
	_ =	sdelay $0x3  }
0x37: {  	[smem:$0x3FB8] =	sst s10  }
0x38: {  	s10 =	sld [smem:$0x3FB9]  }
0x39: {  	_ = 	snop;
	(pc) =	sbr.ind lr, $3  }
0x3a: {  	_ = 	snop  }
0x3b: {  	_ = 	snop  }
0x3c: {  	p2 =	seq.s32 s10, $0x1;
	s10 =	sld [smem:$0x3FB8]  }
0x3d: {  	_ =	shalt  }
0x3e: {  	_ =	shalt  }
0x3f: {  	_ =	shalt  }
0x40: {  	_ =	shalt  }
0x41: {  	_ =	shalt  }
0x42: {  	_ =	shalt  }
0x43: {  	_ =	shalt  }
0x44: {  	_ =	shalt  }
0x45: {  	_ =	shalt  }
0x46: {  	_ =	shalt  }
0x47: {  	_ =	shalt  }
0x48: {  	_ =	shalt  }
0x49: {  	_ =	shalt  }
0x4a: {  	_ =	shalt  }
0x4b: {  	_ =	shalt  }
0x4c: {  	_ =	shalt  }
0x4d: {  	_ =	shalt  }
0x4e: {  	_ =	shalt  }
0x4f: {  	_ =	shalt  }
0x50: {  	_ =	shalt  }
0x51: {  	_ =	shalt  }
0x52: {  	_ =	shalt  }
0x53: {  	_ =	shalt  }
0x54: {  	_ =	shalt  }
0x55: {  	_ =	shalt  }
0x56: {  	_ =	shalt  }
0x57: {  	_ =	shalt  }
0x58: {  	_ =	shalt  }
0x59: {  	_ =	shalt  }
0x5a: {  	_ =	shalt  }
0x5b: {  	_ =	shalt  }
0x5c: {  	_ =	shalt  }
0x5d: {  	_ =	shalt  }
0x5e: {  	_ =	shalt  }
0x5f: {  	_ =	shalt  }
0x60: {  	_ =	shalt  }
0x61: {  	_ =	shalt  }
0x62: {  	_ =	shalt  }
0x63: {  	_ =	shalt  }
0x64: {  	_ =	shalt  }
0x65: {  	_ =	shalt  }
0x66: {  	_ =	shalt  }
0x67: {  	_ =	shalt  }
0x68: {  	_ =	shalt  }
0x69: {  	_ =	shalt  }
0x6a: {  	_ =	shalt  }
0x6b: {  	_ =	shalt  }
0x6c: {  	_ =	shalt  }
0x6d: {  	_ =	shalt  }
0x6e: {  	_ =	shalt  }
0x6f: {  	_ =	shalt  }
0x70: {  	_ =	shalt  }
0x71: {  	_ =	shalt  }
0x72: {  	_ =	shalt  }
0x73: {  	_ =	shalt  }
0x74: {  	_ =	shalt  }
0x75: {  	_ =	shalt  }
0x76: {  	_ =	shalt  }
0x77: {  	_ =	shalt  }
0x78: {  	_ =	shalt  }
0x79: {  	_ =	shalt  }
0x7a: {  	_ =	shalt  }
0x7b: {  	_ =	shalt  }
0x7c: {  	_ =	shalt  }
0x7d: {  	_ =	shalt  }
0x7e: {  	_ =	shalt  }
0x7f: {  	_ =	shalt  }
0x80: {  	_ =	shalt  }
0x81: {  	_ =	shalt  }
0x82: {  	_ =	shalt  }
0x83: {  	_ =	shalt  }
0x84: {  	_ =	shalt  }
0x85: {  	_ =	shalt  }
0x86: {  	_ =	shalt  }
0x87: {  	_ =	shalt  }
.Lfunc_end0:
.L_simem_size_0:
called_computation_lowered:
.L_overlay_start_0:
0x88: {  	s2 =	sld [smem:$0x3FD9]  }
0x89: {  	s3 =	sld [smem:$0x3FFE];
	_ =	sdelay $0x1  }
0x8a: {  	s1 =	srdreg.scid  }
0x8b: {  	s0 =	sand.u32 $0x1, s1  }
0x8c: {  	s17 =	sshll.u32 s0, $0xA;
	s2 =	sadd.s32 s3, s2  }
0x8d: {  	s2 =	sadd.s32 s2, s17  }
0x8e: {  	[smem:$0x3FC4] =	sst s2  }
0x8f: {  	_ = 	snop  }
0x90: {  	s2 =	sld [smem:$0x3FD0];
	(tm) =	ssettm $0x1  }
0x91: {  	s18 =	sld [smem:$0x3FFB];
	_ =	sdelay $0x3  }
0x92: {  	_ =	strace s18  }
0x93: {  	s3 =	sld [smem:$0x3FFC];
	_ =	sdelay $0x3  }
0x94: {  	_ =	strace s3  }
0x95: {  	s3 =	sld [smem:$0x3FFD];
	_ =	sdelay $0x3  }
0x96: {  	_ =	strace s3  }
0x97: {  	_ =	strace $0x8FFFFFFF  }
0x98: {  	s19 =	sld [smem:$0x3FDB];
	_ =	sdelay $0x1  }
0x99: {  	s4 =	simm.s32 $_scs_section_size  }
0x9a: {  	s5 =	simm.s32 $_size__tile_overlayer_lowered;
	s6 =	simm.s32 $_tile_overlayer_lowered  }
0x9b: {  	s22 =	simm.s32 $0x1BFF;
	s21 =	sshll.u32 s6, $0x1;
	s3 =	sadd.s32 s4, s19  }
0x9c: {  	s7 =	simm.s32 $0x0;
	s20 =	sshll.u32 s5, $0x1;
	s5 =	sadd.s32 s21, s3  }
0x9d: {  	[timem:s7], [sflag:s22] =	dma.local [hbm:s5], s20  }
0x9e: {  	_ =	swait.ge [sflag:s22], s20  }
0x9f: {  	s4 =	ssub.s32 $0x0, s20;
	[sflag:s22] =	ssyncset.done $0x0  }
0xa0: {  	[sflag:s22] =	ssyncadd.s32 s4;
	_ =	sdelay $0x1  }
0xa1: {  	s23 =	simm.s32 $0x1B8B  }
0xa2: {  	_ =	swait.ge [sflag:s23], $0x1  }
0xa3: {  	[sflag:s23] =	ssyncset.done $0x0  }
0xa4: {  	s25 =	simm.s32 $0x1B8E;
	s24 =	sld [smem:$0x3FFE];
	[sflag:s23] =	ssyncadd.s32 $0xFFFFFFFF  }
0xa5: {  	s26 =	simm.s32 $execute0_lowered;
	[smem:$0x3FD2] =	sst s25  }
0xa6: {  	s5 =	sshll.u32 s26, $0x1;
	_ =	strace $0x80000046;
	[dreg:$0x1] =	wrdreg $0xFFFFFFFF  }
0xa7: {  	s28 =	simm.s32 $_size_execute0_lowered;
	s3 =	sadd.s32 s3, s5;
	[dreg:$0x0] =	wrdreg $0x0  }
0xa8: {  	s5 =	sshll.u32 s28, $0x1;
	[dreg:$0x2] =	wrdreg s3  }
0xa9: {  	[dreg:$0x3] =	wrdreg s5  }
0xaa: {  	[dreg:$0x4] =	wrdreg $0xC0  }
0xab: {  	_ =	task [dreg:s7], $0x5FFFF  }
0xac: {  	[dreg:$0x1] =	wrdreg $0xFFFFFFFF  }
0xad: {  	[dreg:$0x0] =	wrdreg $0x60  }
0xae: {  	[dreg:$0x2] =	wrdreg s24  }
0xaf: {  	[dreg:$0x3] =	wrdreg s2  }
0xb0: {  	[dreg:$0x4] =	wrdreg $0x9  }
0xb1: {  	_ =	task.clear_ibuf [dreg:s7], $0x5FFFF;
	_ =	strace $0x90000046  }
0xb2: {  	s29 =	simm.s32 $0x9;
	_ =	strace $0x80000048  }
0xb3: {  	_ =	swait.ge [sflag:s29], $0x1  }
0xb4: {  	[sflag:s29] =	ssyncadd.s32 $0xFFFFFFFF  }
0xb5: {  	_ =	strace $0x90000048  }
0xb6: {  	_ =	sfence  }
0xb7: {  	s30 =	sld [smem:$0x0];
	_ =	sdelay $0x2  }
0xb8: {  	s31 =	sshll.u32 s1, $0xD;
	s1 =	sshrl.u32 s1, $0x2  }
0xb9: {  	s3 =	sand.u32 $0x4000, s31;
	s1 =	sadd.s32 s1, s30  }
0xba: {  	s0 =	sor.u32 s3, s0;
	s1 =	sshll.u32 s1, $0x11  }
0xbb: {  	s0 =	sor.u32 s1, s0  }
0xbc: {  	s0 =	sadd.s32 $0x8F2B, s0  }
0xbd: {  	[sflag:s0] =	ssyncadd.remote.s32 $0x1  }
0xbe: {  	_ =	sfence.sel $0xFFFF  }
0xbf: {  	[dreg:$0x0] =	wrdreg $0xFFFFFFFF;
	(pc) =	sbr.abs _section_cstart, $3  }
0xc0: {  	[dreg:$0x1] =	wrdreg $0xFFFFFFFF  }
0xc1: {  	_ =	task.clear_ibuf [dreg:s7], $0x2FFFF;
	_ =	strace $0x9FFFFFFF  }
0xc2: {  	(tm) =	ssettm $0x7FFFFFFF  }
0xc3: {  	_ =	shalt  }
tec
execute0_lowered:
.L_overlay_start_1:
0x0: {  	(tag) =	ssettag $0x1  }
0x1: {  	s1 =	stileid.u32  }
0x2: {  	p0 =	sgt.u32 s1, $0xB  }
.Ltmp0:
0x3: {  	_ = 	snop;
	(pc) =	sbr.rel @p0 .LBB2_5-.Ltmp0, $4  }
0x4: {  	s6 =	rddreg [dreg:$0x0]  }
0x5: {  	s12 =	rddreg [dreg:$0x1];
	s2 =	simm.s32 $0x0  }
0x6: {  	[smem:$0x7FF] =	sst s2  }
0x7: {  	s0 =	rddreg [dreg:$0x2];
	_ =	strace $0x80000047  }
0x8: {  	s4 =	srdreg.scid  }
0x9: {  	s3 =	sadd.s32 $0x7000, s6;
	s8 =	sshll.u32 s1, $0x1;
	s5 =	sadd.s32 $0x7200, s6  }
0xa: {  	s11 =	sadd.s32 $0x2400, s6;
	s10 =	sadd.s32 $0x3C00, s6;
	s9 =	sadd.s32 $0x5400, s6  }
0xb: {  	s16 =	simm.s32 $0x2800;
	s17 =	simm.s32 $0x3000;
	s18 =	simm.s32 $0x3800  }
0xc: {  	s19 =	simm.s32 $0x4000;
	s20 =	simm.s32 $0x1;
	s21 =	simm.s32 $0x6400  }
0xd: {  	s23 =	simm.s32 $0x5C00;
	s24 =	simm.s32 $0x2;
	s7 =	sand.u32 $0x1, s4  }
0xe: {  	s25 =	simm.s32 $0x0;
	s4 =	sadd.s32 $0x6C00, s6;
	s22 =	sor.u32 s7, s8  }
0xf: {  	v1 =	vlaneseq.u32;
	s14 =	ssub.s32 $0x2, s7;
	s13 =	sshll.u32 s22, $0x8;
	p0 =	seq.s32 s22, $0x0  }
0x10: {  	v0 =	vand.u32 $0x7, v1;
	v1 =	vmul.u32 $0x80, v1;
	s15 =	sshrl.u32 s14, $0x1;
	s31 =	sadd.s32 s13, s6;
	s6 =	sadd.s32 $0xA400, s6  }
0x11: {  	vm0 =	vmxor vm0, vm0;
	v3 =	vimm.f32 $0.0e+00;
	vm1 =	vmmov $0xff;
	s14 =	ssub.s32 s14, s15;
	s9 =	sadd.s32 s9, s13;
	s10 =	sadd.s32 s10, s13  }
0x12: {  	v2 =	vmul.u32 $0x80, v0;
	v4 =	vor.u32 $0x1, v1;
	v5 =	vor.u32 $0x2, v1;
	s11 =	sadd.s32 s11, s13;
	s12 =	sadd.s32 s12, s13;
	s15 =	simm.s32 $0x2400  }
0x13: {  	v6 =	vor.u32 $0x3, v1;
	v7 =	vor.u32 $0x4, v1;
	vm0 =	vmneg @p0 vm0;
	p0 =	sne.s32 s22, $0x0;
	s22 =	simm.s32 $0x5400;
	s7 =	sadd.s32 $0x7400, s31  }
0x14: {  	v8 =	vor.u32 $0x5, v1;
	v9 =	vor.u32 $0x6, v1;
	v10 =	vor.u32 $0x7, v1;
	s8 =	sadd.s32 $0x8C00, s31;
	s13 =	smax.u32 s14, $0x1;
	s14 =	simm.s32 $0x400  }
.LBB2_2:
0x15: {  	s26 =	simm.s32 $0x0  }
0x16: {  	[tilespmem:s26], [sflag:$0x1] =	stream.linear.gather [hbm4b:s3+s26], $0x400, $0x38;
	[tilespmem:$0x8400] =	vst v63  }
0x17: {  	_ = 	snop  }
0x18: {  	[tilespmem:s14], [sflag:$0x1] =	stream.linear.gather [hbm4b:s4+s26], $0x2000, $0x38;
	[tilespmem:$0x8400] =	vst v63  }
0x19: {  	_ = 	snop  }
0x1a: {  	[tilespmem:s15], [sflag:$0x1] =	stream.linear.gather [hbm4b:s5+s26], $0x400, $0x38;
	[tilespmem:$0x8400] =	vst v63  }
0x1b: {  	_ = 	snop  }
0x1c: {  	[tilespmem:s16], [sflag:$0x1] =	stream.linear.gather [hbm4b:s12+s26], $0x800, $0x38;
	[tilespmem:$0x8400] =	vst v63  }
0x1d: {  	_ = 	snop  }
0x1e: {  	[tilespmem:s17], [sflag:$0x1] =	stream.linear.gather [hbm4b:s11+s26], $0x800, $0x38;
	[tilespmem:$0x8400] =	vst v63  }
0x1f: {  	_ = 	snop  }
0x20: {  	[tilespmem:s18], [sflag:$0x1] =	stream.linear.gather [hbm4b:s10+s26], $0x800, $0x38;
	[tilespmem:$0x8400] =	vst v63  }
0x21: {  	_ = 	snop  }
0x22: {  	[tilespmem:s19], [sflag:$0x1] =	stream.linear.gather [hbm4b:s9+s26], $0x800, $0x38;
	[tilespmem:$0x8400] =	vst v63  }
0x23: {  	_ =	swait.ge [sflag:s20], $0x400  }
0x24: {  	[sflag:s20] =	ssyncset.done $0x0  }
0x25: {  	[sflag:s20] =	ssyncadd.s32 $0xFFFFFC00  }
0x26: {  	_ =	swait.ge [sflag:s20], $0x2000  }
0x27: {  	[sflag:s20] =	ssyncset.done $0x0  }
0x28: {  	[sflag:s20] =	ssyncadd.s32 $0xFFFFE000  }
0x29: {  	_ =	swait.ge [sflag:s20], $0x400  }
0x2a: {  	[sflag:s20] =	ssyncset.done $0x0  }
0x2b: {  	[sflag:s20] =	ssyncadd.s32 $0xFFFFFC00  }
0x2c: {  	_ =	swait.ge [sflag:s20], $0x800  }
0x2d: {  	[sflag:s20] =	ssyncset.done $0x0  }
0x2e: {  	[sflag:s20] =	ssyncadd.s32 $0xFFFFF800  }
0x2f: {  	_ =	swait.ge [sflag:s20], $0x800  }
0x30: {  	[sflag:s20] =	ssyncset.done $0x0  }
0x31: {  	[sflag:s20] =	ssyncadd.s32 $0xFFFFF800  }
0x32: {  	_ =	swait.ge [sflag:s20], $0x800  }
0x33: {  	[sflag:s20] =	ssyncset.done $0x0  }
0x34: {  	[sflag:s20] =	ssyncadd.s32 $0xFFFFF800  }
0x35: {  	_ =	swait.ge [sflag:s20], $0x800  }
0x36: {  	[sflag:s20] =	ssyncset.done $0x0  }
0x37: {  	[sflag:s20] =	ssyncadd.s32 $0xFFFFF800  }
0x38: {  	v13 =	vld.idx.msk [tilespmem:v2+s15+$0x0], $0xffff;
	[tilespmem:$0x4800] =	vst v3  }
0x39: {  	[tilespmem:$0x4C00] =	vst v3  }
0x3a: {  	[tilespmem:$0x5000] =	vst v3  }
0x3b: {  	[tilespmem:$0x4880] =	vst v3  }
0x3c: {  	[tilespmem:$0x4C80] =	vst v3  }
0x3d: {  	[tilespmem:$0x5080] =	vst v3  }
0x3e: {  	[tilespmem:$0x4900] =	vst v3  }
0x3f: {  	[tilespmem:$0x4D00] =	vst v3  }
0x40: {  	[tilespmem:$0x5100] =	vst v3  }
0x41: {  	[tilespmem:$0x4980] =	vst v3  }
0x42: {  	[tilespmem:$0x4D80] =	vst v3  }
0x43: {  	[tilespmem:$0x5180] =	vst v3  }
0x44: {  	[tilespmem:$0x4A00] =	vst v3  }
0x45: {  	[tilespmem:$0x4E00] =	vst v3  }
0x46: {  	[tilespmem:$0x5200] =	vst v3  }
0x47: {  	[tilespmem:$0x4A80] =	vst v3  }
0x48: {  	s28 =	simm.s32 $0x1;
	[tilespmem:$0x4E80] =	vst v3  }
0x49: {  	v11 =	vmov s28;
	[tilespmem:$0x5280] =	vst v3  }
0x4a: {  	v11 =	vsel vm1, s26, v11;
	[tilespmem:$0x4B00] =	vst v3  }
0x4b: {  	v12 =	vor.u32 v2, v11;
	[tilespmem:$0x4F00] =	vst v3  }
0x4c: {  	v22 =	vshll.u32 v11, $0x7;
	[tilespmem:$0x5300] =	vst v3  }
0x4d: {  	[tilespmem:$0x4B80] =	vst v3  }
0x4e: {  	[tilespmem:$0x4F80] =	vst v3  }
0x4f: {  	[tilespmem:$0x5380] =	vst v3  }
0x50: {  	v11 =	vld.idx.msk [tilespmem:v12+s2+$0x0], $0xffff  }
0x51: {  	v12 =	vld.idx.msk [tilespmem:v22+s14+$0x0], $0xffff;
	_ =	sdelay $0x4  }
0x52: {  	v12 =	vadd.f32 v12, v13;
	v11 =	vadd.f32 v11, v11;
	_ =	sdelay $0x1  }
0x53: {  	v11 =	vsub.f32 v12, v11;
	_ =	sdelay $0x1  }
0x54: {  	v11 =	vand.u32 $0x7FFFFFFF, v11  }
0x55: {  	v12 =	vnsel vm1, $0x7F61B1E6, v11  }
0x56: {  	v14 =	vsel vm1, $0x7F61B1E6, v11;
	(xrf0) =	vmin.scan.msk.f32 $0xffff, v12  }
0x57: {  	(xrf0) =	vmin.scan.msk.f32 $0xffff, v14;
	_ =	sdelay $0x4  }
0x58: {  	v11, _, _ =	vpop (xrf0)  }
0x59: {  	v17 =	vld [tilespmem:$0x5000];
	v11 =	vbroadcast v11, $0xF;
	v15, _, _ =	vpop (xrf0)  }
0x5a: {  	v16 =	vld [tilespmem:$0x5080];
	v15 =	vbroadcast v15, $0xF  }
0x5b: {  	v18 =	vld [tilespmem:$0x5100];
	vm2 =	veq.f32 v12, v11  }
0x5c: {  	v21 =	vor.u32 s26, v1;
	v19 =	vld [tilespmem:$0x5180];
	v11 =	vmctz.xlane vm2;
	vm2 =	veq.f32 v14, v15  }
0x5d: {  	v20 =	vld [tilespmem:$0x5200];
	v12 =	vor.u32 v0, v22;
	v15 =	vor.u32 s28, v1;
	v14 =	vmctz.xlane vm2  }
0x5e: {  	v23 =	vld [tilespmem:$0x5300];
	vm5 =	veq.s32 v11, $0x0;
	vm6 =	veq.s32 v11, $0x1;
	vm7 =	veq.s32 v11, $0x2  }
0x5f: {  	s26 =	simm.s32 $0x2;
	v22 =	vld [tilespmem:$0x5280];
	vm3 =	veq.s32 v11, $0x3;
	vm4 =	veq.s32 v11, $0x4;
	vm2 =	veq.s32 v11, $0x5  }
.LBB2_3:
0x60: {  	p1 =	sne.s32 s26, $0x3E;
	v14 =	vadd.s32 $0xFFFFFFF8, v14;
	vm8 =	veq.s32 v11, $0x6;
	vm9 =	veq.s32 v11, $0x7;
	v24 =	vld [tilespmem:$0x5380]  }
0x61: {  	v26 =	vsel vm5, $0x3F800000, v3;
	v27 =	vsel vm6, $0x3F800000, v3;
	v28 =	vsel vm7, $0x3F800000, v3;
	v25 =	vld.idx.msk [tilespmem:v21+s16+$0x0], $0xffff  }
0x62: {  	v29 =	vsel vm3, $0x3F800000, v3;
	v30 =	vsel vm4, $0x3F800000, v3;
	v17 =	vadd.f32 v17, v26;
	v21 =	vld.idx.msk [tilespmem:v21+s17+$0x0], $0xffff  }
0x63: {  	v31 =	vsel vm2, $0x3F800000, v3;
	v16 =	vadd.f32 v16, v27;
	v18 =	vadd.f32 v18, v28  }
0x64: {  	v19 =	vadd.f32 v19, v29;
	v32 =	vsel vm8, $0x3F800000, v3;
	v20 =	vadd.f32 v20, v30  }
0x65: {  	v33 =	vsel vm9, $0x3F800000, v3;
	v22 =	vadd.f32 v22, v31;
	v23 =	vadd.f32 v23, v32  }
0x66: {  	vm7 =	veq.s32 v14, $0x0;
	vm8 =	veq.s32 v14, $0x1;
	v24 =	vadd.f32 v24, v33  }
0x67: {  	vm9 =	veq.s32 v14, $0x2;
	vm6 =	veq.s32 v14, $0x3;
	v34 =	vmul.f32 v26, v25  }
0x68: {  	vm5 =	veq.s32 v14, $0x4;
	v35 =	vmul.f32 v27, v25;
	v26 =	vmul.f32 v21, v26  }
0x69: {  	vm3 =	veq.s32 v14, $0x5;
	v36 =	vmul.f32 v28, v25;
	v27 =	vmul.f32 v21, v27  }
0x6a: {  	vm2 =	veq.s32 v14, $0x6;
	v37 =	vmul.f32 v29, v25;
	v28 =	vmul.f32 v21, v28  }
0x6b: {  	vm4 =	veq.s32 v14, $0x7;
	v38 =	vmul.f32 v30, v25;
	v29 =	vmul.f32 v21, v29  }
0x6c: {  	v39 =	vsel vm7, $0x3F800000, v3;
	v41 =	vmul.f32 v31, v25;
	v30 =	vmul.f32 v21, v30;
	v40 =	vld [tilespmem:$0x4800]  }
0x6d: {  	v43 =	vsel vm8, $0x3F800000, v3;
	v17 =	vadd.f32 v17, v39;
	v31 =	vmul.f32 v21, v31;
	v42 =	vld.idx.msk [tilespmem:v15+s16+$0x0], $0xffff  }
0x6e: {  	v44 =	vsel vm9, $0x3F800000, v3;
	v16 =	vadd.f32 v16, v43;
	v45 =	vmul.f32 v32, v25;
	v15 =	vld.idx.msk [tilespmem:v15+s17+$0x0], $0xffff  }
0x6f: {  	v32 =	vmul.f32 v21, v32;
	v46 =	vld [tilespmem:$0x4C00];
	[tilespmem:$0x5000] =	vst v17;
	v17 =	vadd.f32 v18, v44;
	v18 =	vsel vm6, $0x3F800000, v3  }
0x70: {  	v25 =	vmul.f32 v33, v25;
	v47 =	vld [tilespmem:$0x4880];
	[tilespmem:$0x5080] =	vst v16;
	v16 =	vadd.f32 v19, v18;
	v19 =	vsel vm5, $0x3F800000, v3  }
0x71: {  	v21 =	vmul.f32 v21, v33;
	v48 =	vld [tilespmem:$0x4C80];
	[tilespmem:$0x5100] =	vst v17;
	v17 =	vadd.f32 v20, v19;
	v20 =	vsel vm3, $0x3F800000, v3  }
0x72: {  	v49 =	vsel vm4, $0x3F800000, v3;
	v33 =	vld [tilespmem:$0x4900];
	[tilespmem:$0x5180] =	vst v16;
	v16 =	vadd.f32 v22, v20;
	v22 =	vsel vm2, $0x3F800000, v3  }
0x73: {  	v34 =	vadd.f32 v40, v34;
	v40 =	vmul.f32 v39, v42;
	v50 =	vld [tilespmem:$0x4D00];
	[tilespmem:$0x5200] =	vst v17;
	v17 =	vadd.f32 v23, v22  }
0x74: {  	v23 =	vadd.f32 v46, v26;
	v26 =	vmul.f32 v15, v39;
	v39 =	vld [tilespmem:$0x4980];
	[tilespmem:$0x5280] =	vst v16;
	v16 =	vadd.f32 v24, v49  }
0x75: {  	v24 =	vadd.f32 v34, v40;
	v34 =	vadd.f32 v47, v35;
	v35 =	vmul.f32 v43, v42;
	v40 =	vld [tilespmem:$0x4D80];
	[tilespmem:$0x5300] =	vst v17  }
0x76: {  	v17 =	vadd.f32 v23, v26;
	v23 =	vadd.f32 v48, v27;
	v26 =	vmul.f32 v15, v43;
	v27 =	vld [tilespmem:$0x4A00];
	[tilespmem:$0x5380] =	vst v16  }
0x77: {  	[tilespmem:$0x4800] =	vst v24;
	v16 =	vadd.f32 v34, v35;
	v24 =	vadd.f32 v33, v36;
	v33 =	vmul.f32 v44, v42;
	v34 =	vld [tilespmem:$0x4E00]  }
0x78: {  	[tilespmem:$0x4C00] =	vst v17;
	v17 =	vadd.f32 v23, v26;
	v23 =	vadd.f32 v50, v28;
	v26 =	vmul.f32 v15, v44;
	v28 =	vld [tilespmem:$0x4A80]  }
0x79: {  	[tilespmem:$0x4880] =	vst v16;
	v16 =	vadd.f32 v24, v33;
	v24 =	vadd.f32 v39, v37;
	v33 =	vmul.f32 v18, v42;
	v35 =	vld [tilespmem:$0x4E80]  }
0x7a: {  	v18 =	vmul.f32 v15, v18;
	[tilespmem:$0x4C80] =	vst v17;
	v17 =	vadd.f32 v23, v26;
	v23 =	vadd.f32 v40, v29;
	v26 =	vld [tilespmem:$0x4B00]  }
0x7b: {  	[tilespmem:$0x4900] =	vst v16;
	v16 =	vadd.f32 v24, v33;
	v24 =	vadd.f32 v27, v38;
	v27 =	vmul.f32 v19, v42;
	v29 =	vld [tilespmem:$0x4F00]  }
0x7c: {  	v19 =	vmul.f32 v15, v19;
	[tilespmem:$0x4D00] =	vst v17;
	v17 =	vadd.f32 v23, v18;
	v18 =	vadd.f32 v34, v30;
	v23 =	vld [tilespmem:$0x4B80]  }
0x7d: {  	[tilespmem:$0x4980] =	vst v16;
	v16 =	vadd.f32 v24, v27;
	v24 =	vadd.f32 v28, v41;
	v27 =	vmul.f32 v20, v42;
	v28 =	vld [tilespmem:$0x4F80]  }
0x7e: {  	[tilespmem:$0x4D80] =	vst v17;
	v17 =	vadd.f32 v18, v19;
	v18 =	vadd.f32 v35, v31;
	v19 =	vmul.f32 v15, v20  }
0x7f: {  	[tilespmem:$0x4A00] =	vst v16;
	v16 =	vadd.f32 v24, v27;
	v20 =	vadd.f32 v26, v45;
	v24 =	vmul.f32 v22, v42  }
0x80: {  	[tilespmem:$0x4E00] =	vst v17;
	v17 =	vadd.f32 v18, v19;
	v18 =	vadd.f32 v29, v32;
	v19 =	vmul.f32 v15, v22  }
0x81: {  	v22 =	vmul.f32 v49, v42;
	[tilespmem:$0x4A80] =	vst v16;
	v16 =	vadd.f32 v20, v24;
	v20 =	vadd.f32 v23, v25  }
0x82: {  	s28 =	sadd.s32 $0x1, s26;
	v15 =	vmul.f32 v15, v49;
	[tilespmem:$0x4E80] =	vst v17;
	v17 =	vadd.f32 v18, v19;
	v18 =	vadd.f32 v28, v21  }
0x83: {  	v19 =	vmov s28;
	[tilespmem:$0x4B00] =	vst v16;
	v16 =	vadd.f32 v20, v22  }
0x84: {  	v11 =	vsel vm1, v11, v14;
	v19 =	vsel vm1, s26, v19;
	[tilespmem:$0x4F00] =	vst v17;
	v15 =	vadd.f32 v18, v15  }
0x85: {  	vm2 =	veq.s32 v11, v0;
	v14 =	vor.u32 v2, v19;
	[tilespmem:$0x4B80] =	vst v16  }
0x86: {  	v11 =	vsel vm2, $0x3F800000, v3;
	v22 =	vshll.u32 v19, $0x7;
	[tilespmem:$0x4F80] =	vst v15  }
0x87: {  	[tilespmem:v12+s21+$0x0] =	vst.idx.msk vm0, v11;
	_ =	sdelay $0x2  }
0x88: {  	v11 =	vld.idx.msk [tilespmem:v14+s2+$0x0], $0xffff  }
0x89: {  	v12 =	vld.idx.msk [tilespmem:v22+s14+$0x0], $0xffff;
	_ =	sdelay $0x5  }
0x8a: {  	v11 =	vadd.f32 v11, v11;
	v12 =	vadd.f32 v12, v13;
	_ =	sdelay $0x1  }
0x8b: {  	v11 =	vsub.f32 v12, v11;
	_ =	sdelay $0x1  }
0x8c: {  	v11 =	vand.u32 $0x7FFFFFFF, v11  }
0x8d: {  	v12 =	vnsel vm1, $0x7F61B1E6, v11  }
0x8e: {  	v14 =	vsel vm1, $0x7F61B1E6, v11;
	(xrf0) =	vmin.scan.msk.f32 $0xffff, v12  }
0x8f: {  	(xrf0) =	vmin.scan.msk.f32 $0xffff, v14;
	_ =	sdelay $0x4  }
0x90: {  	v11, _, _ =	vpop (xrf0)  }
0x91: {  	v11 =	vbroadcast v11, $0xF;
	v17 =	vld [tilespmem:$0x5000];
	v15, _, _ =	vpop (xrf0)  }
0x92: {  	v15 =	vbroadcast v15, $0xF;
	v16 =	vld [tilespmem:$0x5080]  }
.Ltmp1:
0x93: {  	vm2 =	veq.f32 v12, v11;
	v18 =	vld [tilespmem:$0x5100];
	(pc) =	sbr.rel @p1 .LBB2_3-.Ltmp1, $4  }
0x94: {  	v21 =	vor.u32 s26, v1;
	v11 =	vmctz.xlane vm2;
	vm2 =	veq.f32 v14, v15;
	v19 =	vld [tilespmem:$0x5180]  }
0x95: {  	v12 =	vor.u32 v0, v22;
	v15 =	vor.u32 s28, v1;
	v14 =	vmctz.xlane vm2;
	v20 =	vld [tilespmem:$0x5200]  }
0x96: {  	vm5 =	veq.s32 v11, $0x0;
	vm6 =	veq.s32 v11, $0x1;
	vm7 =	veq.s32 v11, $0x2;
	v22 =	vld [tilespmem:$0x5280]  }
0x97: {  	s26 =	sadd.s32 $0x2, s26;
	vm3 =	veq.s32 v11, $0x3;
	vm4 =	veq.s32 v11, $0x4;
	vm2 =	veq.s32 v11, $0x5;
	v23 =	vld [tilespmem:$0x5300]  }
0x98: {  	v13 =	vadd.s32 $0xFFFFFFF8, v14  }
0x99: {  	vm8 =	veq.s32 v11, $0x6;
	vm9 =	veq.s32 v11, $0x7;
	v24 =	vsel vm5, $0x3F800000, v3  }
0x9a: {  	v25 =	vsel vm6, $0x3F800000, v3;
	v26 =	vsel vm7, $0x3F800000, v3;
	v28 =	vsel vm3, $0x3F800000, v3  }
0x9b: {  	v29 =	vsel vm4, $0x3F800000, v3;
	v17 =	vadd.f32 v17, v24;
	v16 =	vadd.f32 v16, v25  }
0x9c: {  	v30 =	vsel vm2, $0x3F800000, v3;
	v18 =	vadd.f32 v18, v26;
	v19 =	vadd.f32 v19, v28  }
0x9d: {  	v27 =	vld.idx.msk [tilespmem:v21+s16+$0x0], $0xffff;
	v31 =	vsel vm8, $0x3F800000, v3;
	v32 =	vsel vm9, $0x3F800000, v3;
	vm3 =	veq.s32 v13, $0x0  }
0x9e: {  	v60 =	vld.idx.msk [tilespmem:v21+s17+$0x0], $0xffff;
	vm4 =	veq.s32 v13, $0x1;
	vm5 =	veq.s32 v13, $0x2;
	vm12 =	veq.s32 v13, $0x3  }
0x9f: {  	vm13 =	veq.s32 v13, $0x4;
	vm14 =	veq.s32 v13, $0x5;
	vm2 =	veq.s32 v13, $0x6  }
0xa0: {  	vm15 =	veq.s32 v13, $0x7;
	v20 =	vadd.f32 v20, v29;
	v38 =	vsel vm3, $0x3F800000, v3  }
0xa1: {  	v42 =	vsel vm4, $0x3F800000, v3;
	v43 =	vsel vm5, $0x3F800000, v3;
	v48 =	vsel vm15, $0x3F800000, v3  }
0xa2: {  	v22 =	vadd.f32 v22, v30;
	v17 =	vadd.f32 v17, v38;
	v33 =	vmul.f32 v24, v27  }
0xa3: {  	v59 =	vld [tilespmem:$0x5380];
	v16 =	vadd.f32 v16, v42;
	v24 =	vmul.f32 v60, v24;
	v34 =	vmul.f32 v25, v27  }
0xa4: {  	v39 =	vld [tilespmem:$0x4800];
	v61 =	vadd.f32 v18, v43;
	v25 =	vmul.f32 v60, v25;
	v35 =	vmul.f32 v26, v27  }
0xa5: {  	v41 =	vld.idx.msk [tilespmem:v15+s16+$0x0], $0xffff;
	v18 =	vsel vm12, $0x3F800000, v3;
	v26 =	vmul.f32 v60, v26;
	v36 =	vmul.f32 v28, v27  }
0xa6: {  	v15 =	vld.idx.msk [tilespmem:v15+s17+$0x0], $0xffff;
	v23 =	vadd.f32 v23, v31;
	v28 =	vmul.f32 v60, v28;
	v37 =	vmul.f32 v29, v27  }
0xa7: {  	v45 =	vld [tilespmem:$0x4C00];
	v62 =	vadd.f32 v19, v18;
	v29 =	vmul.f32 v60, v29;
	v40 =	vmul.f32 v30, v27  }
0xa8: {  	v46 =	vld [tilespmem:$0x4880];
	v19 =	vsel vm13, $0x3F800000, v3;
	v30 =	vmul.f32 v60, v30;
	v44 =	vmul.f32 v31, v27;
	[tilespmem:$0x5000] =	vst v17  }
0xa9: {  	v47 =	vld [tilespmem:$0x4C80];
	v14 =	vadd.f32 v59, v32;
	v31 =	vmul.f32 v60, v31;
	[tilespmem:$0x5080] =	vst v16;
	v27 =	vmul.f32 v32, v27  }
0xaa: {  	v52 =	vld [tilespmem:$0x4900];
	[tilespmem:$0x5100] =	vst v61;
	v63 =	vadd.f32 v20, v19;
	v20 =	vsel vm14, $0x3F800000, v3;
	v21 =	vmul.f32 v60, v32  }
0xab: {  	v58 =	vld [tilespmem:$0x4980];
	[tilespmem:$0x5180] =	vst v62;
	v53 =	vadd.f32 v22, v20;
	v22 =	vsel vm2, $0x3F800000, v3;
	v33 =	vadd.f32 v39, v33  }
0xac: {  	v49 =	vld [tilespmem:$0x4D00];
	v54 =	vmul.f32 v38, v41;
	[tilespmem:$0x5200] =	vst v63;
	v55 =	vadd.f32 v23, v22;
	v56 =	vadd.f32 v45, v24  }
0xad: {  	v57 =	vmul.f32 v15, v38;
	v14 =	vadd.f32 v14, v48;
	v60 =	vadd.f32 v46, v34;
	[tilespmem:$0x5280] =	vst v53  }
0xae: {  	v61 =	vmul.f32 v42, v41;
	v39 =	vld [tilespmem:$0x4D80];
	v63 =	vadd.f32 v47, v25;
	v59 =	vadd.f32 v33, v54;
	[tilespmem:$0x5300] =	vst v55  }
0xaf: {  	v45 =	vmul.f32 v15, v42;
	v46 =	vld [tilespmem:$0x4A00];
	v50 =	vadd.f32 v52, v35;
	v62 =	vadd.f32 v56, v57;
	[tilespmem:$0x5380] =	vst v14  }
0xb0: {  	v51 =	vmul.f32 v43, v41;
	v52 =	vld [tilespmem:$0x4E00];
	v58 =	vadd.f32 v58, v36;
	v47 =	vadd.f32 v60, v61;
	[tilespmem:$0x4800] =	vst v59  }
0xb1: {  	v53 =	vadd.f32 v63, v45;
	v54 =	vadd.f32 v49, v26;
	v55 =	vmul.f32 v15, v43;
	v56 =	vld [tilespmem:$0x4A80];
	[tilespmem:$0x4C00] =	vst v62  }
0xb2: {  	v36 =	vmul.f32 v19, v41;
	v57 =	vadd.f32 v50, v51;
	v60 =	vld [tilespmem:$0x4E80];
	[tilespmem:$0x4880] =	vst v47;
	v59 =	vmul.f32 v18, v41  }
0xb3: {  	v63 =	vld [tilespmem:$0x4B00];
	[tilespmem:$0x4C80] =	vst v53;
	v61 =	vadd.f32 v54, v55;
	v18 =	vmul.f32 v15, v18;
	v62 =	vadd.f32 v39, v28  }
0xb4: {  	v19 =	vmul.f32 v15, v19;
	v42 =	vld [tilespmem:$0x4B80];
	[tilespmem:$0x4900] =	vst v57;
	v35 =	vadd.f32 v46, v37;
	v32 =	vadd.f32 v58, v59  }
0xb5: {  	v51 =	vmul.f32 v15, v20;
	v47 =	vld [tilespmem:$0x4F80];
	v39 =	vadd.f32 v52, v29;
	[tilespmem:$0x4D00] =	vst v61;
	v38 =	vadd.f32 v62, v18  }
0xb6: {  	v37 =	vld [tilespmem:$0x4F00];
	v46 =	vmul.f32 v20, v41;
	v43 =	vadd.f32 v35, v36;
	v45 =	vadd.f32 v56, v40;
	[tilespmem:$0x4980] =	vst v32  }
0xb7: {  	v54 =	vmul.f32 v22, v41;
	v49 =	vadd.f32 v39, v19;
	v50 =	vadd.f32 v60, v30;
	[tilespmem:$0x4D80] =	vst v38  }
0xb8: {  	v57 =	vmul.f32 v15, v22;
	v53 =	vadd.f32 v63, v44;
	[tilespmem:$0x4A00] =	vst v43;
	v52 =	vadd.f32 v45, v46  }
0xb9: {  	v59 =	vadd.f32 v42, v27;
	v60 =	vmul.f32 v48, v41;
	[tilespmem:$0x4E00] =	vst v49;
	v55 =	vadd.f32 v50, v51  }
0xba: {  	v15 =	vmul.f32 v15, v48;
	v58 =	vadd.f32 v53, v54;
	v62 =	vadd.f32 v47, v21;
	[tilespmem:$0x4A80] =	vst v52  }
0xbb: {  	v63 =	vadd.f32 v59, v60;
	v56 =	vadd.f32 v37, v31;
	[tilespmem:$0x4E80] =	vst v55  }
0xbc: {  	[tilespmem:$0x4B00] =	vst v58;
	v15 =	vadd.f32 v62, v15  }
0xbd: {  	v11 =	vsel vm1, v11, v13;
	[tilespmem:$0x4B80] =	vst v63;
	v61 =	vadd.f32 v56, v57  }
0xbe: {  	vm2 =	veq.s32 v11, v0;
	[tilespmem:$0x4F80] =	vst v15  }
0xbf: {  	v11 =	vsel vm2, $0x3F800000, v3;
	[tilespmem:$0x4F00] =	vst v61  }
0xc0: {  	[tilespmem:v12+s21+$0x0] =	vst.idx.msk vm0, v11  }
0xc1: {  	v11 =	vld [tilespmem:$0x5000];
	_ =	sdelay $0x4  }
0xc2: {  	v11 =	vmul.f32 $1.960000000e+02, v11;
	_ =	sdelay $0x1  }
0xc3: {  	v11 =	vmax.f32 v11, $1.000000000e+00  }
0xc4: {  	(erf) = vrcp.f32 v11;
	_ =	sdelay $0x4  }
0xc5: {  	v11 =	vld [tilespmem:$0x4800];
	_ =	sdelay $0x1  }
0xc6: {  	v12 =	vld [tilespmem:$0x4C00];
	_ =	sdelay $0x1  }
0xc7: {  	v16 =	vpop (erf)  }
0xc8: {  	v11 =	vmul.f32 v16, v11;
	_ =	sdelay $0x1  }
0xc9: {  	v12 =	vmul.f32 v16, v12;
	v17 =	vmul.f32 v11, v11;
	_ =	sdelay $0x1  }
0xca: {  	v12 =	vsub.f32 v12, v17;
	_ =	sdelay $0x1  }
0xcb: {  	v12 =	vadd.f32 $9.999999740e-06, v12;
	_ =	sdelay $0x1  }
0xcc: {  	v18 =	vshrl.u32 v12, $0x1;
	v12 =	vmul.f32 $5.000000000e-01, v12  }
0xcd: {  	v13 =	vsub.s32 $0x5F3759DF, v18  }
0xce: {  	v19 =	vmul.f32 v13, v12;
	_ =	sdelay $0x1  }
0xcf: {  	v14 =	vmul.f32 v13, v19;
	_ =	sdelay $0x1  }
0xd0: {  	v14 =	vsub.f32 $1.500000000e+00, v14;
	_ =	sdelay $0x1  }
0xd1: {  	v13 =	vmul.f32 v13, v14;
	_ =	sdelay $0x1  }
0xd2: {  	v14 =	vmul.f32 v13, v12;
	_ =	sdelay $0x1  }
0xd3: {  	v14 =	vmul.f32 v14, v13;
	_ =	sdelay $0x1  }
0xd4: {  	v14 =	vsub.f32 $1.500000000e+00, v14;
	_ =	sdelay $0x1  }
0xd5: {  	v13 =	vmul.f32 v14, v13;
	_ =	sdelay $0x1  }
0xd6: {  	v12 =	vmul.f32 v13, v12;
	_ =	sdelay $0x1  }
0xd7: {  	v12 =	vmul.f32 v12, v13  }
0xd8: {  	v20 =	vld.idx.msk [tilespmem:v1+s18+$0x0], $0xffff  }
0xd9: {  	v12 =	vsub.f32 $1.500000000e+00, v12;
	_ =	sdelay $0x1  }
0xda: {  	v12 =	vmul.f32 v12, v13  }
0xdb: {  	v21 =	vld.idx.msk [tilespmem:v1+s19+$0x0], $0xffff  }
0xdc: {  	v12 =	vmul.f32 v12, v20;
	_ =	sdelay $0x1  }
0xdd: {  	v11 =	vmul.f32 v12, v11;
	_ =	sdelay $0x1  }
0xde: {  	v11 =	vsub.f32 v21, v11  }
0xdf: {  	[tilespmem:v1+s22+$0x0] =	vst.idx.msk $0xffff, v12  }
0xe0: {  	[tilespmem:v1+s23+$0x0] =	vst.idx.msk $0xffff, v11  }
0xe1: {  	v11 =	vld [tilespmem:$0x5080];
	_ =	sdelay $0x4  }
0xe2: {  	v11 =	vmul.f32 $1.960000000e+02, v11;
	_ =	sdelay $0x1  }
0xe3: {  	v11 =	vmax.f32 v11, $1.000000000e+00  }
0xe4: {  	(erf) = vrcp.f32 v11;
	_ =	sdelay $0x4  }
0xe5: {  	v11 =	vld [tilespmem:$0x4880];
	_ =	sdelay $0x1  }
0xe6: {  	v12 =	vld [tilespmem:$0x4C80];
	_ =	sdelay $0x1  }
0xe7: {  	v22 =	vpop (erf)  }
0xe8: {  	v11 =	vmul.f32 v22, v11;
	_ =	sdelay $0x1  }
0xe9: {  	v12 =	vmul.f32 v22, v12;
	v23 =	vmul.f32 v11, v11;
	_ =	sdelay $0x1  }
0xea: {  	v12 =	vsub.f32 v12, v23;
	_ =	sdelay $0x1  }
0xeb: {  	v12 =	vadd.f32 $9.999999740e-06, v12;
	_ =	sdelay $0x1  }
0xec: {  	v24 =	vshrl.u32 v12, $0x1;
	v12 =	vmul.f32 $5.000000000e-01, v12  }
0xed: {  	v13 =	vsub.s32 $0x5F3759DF, v24  }
0xee: {  	v25 =	vmul.f32 v13, v12;
	_ =	sdelay $0x1  }
0xef: {  	v14 =	vmul.f32 v13, v25;
	_ =	sdelay $0x1  }
0xf0: {  	v14 =	vsub.f32 $1.500000000e+00, v14;
	_ =	sdelay $0x1  }
0xf1: {  	v13 =	vmul.f32 v13, v14;
	_ =	sdelay $0x1  }
0xf2: {  	v14 =	vmul.f32 v13, v12;
	_ =	sdelay $0x1  }
0xf3: {  	v14 =	vmul.f32 v14, v13;
	_ =	sdelay $0x1  }
0xf4: {  	v14 =	vsub.f32 $1.500000000e+00, v14;
	_ =	sdelay $0x1  }
0xf5: {  	v13 =	vmul.f32 v14, v13;
	_ =	sdelay $0x1  }
0xf6: {  	v12 =	vmul.f32 v13, v12;
	_ =	sdelay $0x1  }
0xf7: {  	v12 =	vmul.f32 v12, v13  }
0xf8: {  	v26 =	vld.idx.msk [tilespmem:v4+s18+$0x0], $0xffff  }
0xf9: {  	v12 =	vsub.f32 $1.500000000e+00, v12;
	_ =	sdelay $0x1  }
0xfa: {  	v12 =	vmul.f32 v12, v13  }
0xfb: {  	v27 =	vld.idx.msk [tilespmem:v4+s19+$0x0], $0xffff  }
0xfc: {  	v12 =	vmul.f32 v12, v26;
	_ =	sdelay $0x1  }
0xfd: {  	v11 =	vmul.f32 v12, v11;
	_ =	sdelay $0x1  }
0xfe: {  	v11 =	vsub.f32 v27, v11  }
0xff: {  	[tilespmem:v4+s22+$0x0] =	vst.idx.msk $0xffff, v12  }
0x100: {  	[tilespmem:v4+s23+$0x0] =	vst.idx.msk $0xffff, v11  }
0x101: {  	v11 =	vld [tilespmem:$0x5100];
	_ =	sdelay $0x4  }
0x102: {  	v11 =	vmul.f32 $1.960000000e+02, v11;
	_ =	sdelay $0x1  }
0x103: {  	v11 =	vmax.f32 v11, $1.000000000e+00  }
0x104: {  	(erf) = vrcp.f32 v11;
	_ =	sdelay $0x4  }
0x105: {  	v11 =	vld [tilespmem:$0x4900];
	_ =	sdelay $0x1  }
0x106: {  	v12 =	vld [tilespmem:$0x4D00];
	_ =	sdelay $0x1  }
0x107: {  	v28 =	vpop (erf)  }
0x108: {  	v11 =	vmul.f32 v28, v11;
	_ =	sdelay $0x1  }
0x109: {  	v12 =	vmul.f32 v28, v12;
	v29 =	vmul.f32 v11, v11;
	_ =	sdelay $0x1  }
0x10a: {  	v12 =	vsub.f32 v12, v29;
	_ =	sdelay $0x1  }
0x10b: {  	v12 =	vadd.f32 $9.999999740e-06, v12;
	_ =	sdelay $0x1  }
0x10c: {  	v30 =	vshrl.u32 v12, $0x1;
	v12 =	vmul.f32 $5.000000000e-01, v12  }
0x10d: {  	v13 =	vsub.s32 $0x5F3759DF, v30  }
0x10e: {  	v31 =	vmul.f32 v13, v12;
	_ =	sdelay $0x1  }
0x10f: {  	v14 =	vmul.f32 v13, v31;
	_ =	sdelay $0x1  }
0x110: {  	v14 =	vsub.f32 $1.500000000e+00, v14;
	_ =	sdelay $0x1  }
0x111: {  	v13 =	vmul.f32 v13, v14;
	_ =	sdelay $0x1  }
0x112: {  	v14 =	vmul.f32 v13, v12;
	_ =	sdelay $0x1  }
0x113: {  	v14 =	vmul.f32 v14, v13;
	_ =	sdelay $0x1  }
0x114: {  	v14 =	vsub.f32 $1.500000000e+00, v14;
	_ =	sdelay $0x1  }
0x115: {  	v13 =	vmul.f32 v14, v13;
	_ =	sdelay $0x1  }
0x116: {  	v12 =	vmul.f32 v13, v12;
	_ =	sdelay $0x1  }
0x117: {  	v12 =	vmul.f32 v12, v13  }
0x118: {  	v32 =	vld.idx.msk [tilespmem:v5+s18+$0x0], $0xffff  }
0x119: {  	v12 =	vsub.f32 $1.500000000e+00, v12;
	_ =	sdelay $0x1  }
0x11a: {  	v12 =	vmul.f32 v12, v13  }
0x11b: {  	v33 =	vld.idx.msk [tilespmem:v5+s19+$0x0], $0xffff  }
0x11c: {  	v12 =	vmul.f32 v12, v32;
	_ =	sdelay $0x1  }
0x11d: {  	v11 =	vmul.f32 v12, v11;
	_ =	sdelay $0x1  }
0x11e: {  	v11 =	vsub.f32 v33, v11  }
0x11f: {  	[tilespmem:v5+s22+$0x0] =	vst.idx.msk $0xffff, v12  }
0x120: {  	[tilespmem:v5+s23+$0x0] =	vst.idx.msk $0xffff, v11  }
0x121: {  	v11 =	vld [tilespmem:$0x5180];
	_ =	sdelay $0x4  }
0x122: {  	v11 =	vmul.f32 $1.960000000e+02, v11;
	_ =	sdelay $0x1  }
0x123: {  	v11 =	vmax.f32 v11, $1.000000000e+00  }
0x124: {  	(erf) = vrcp.f32 v11;
	_ =	sdelay $0x4  }
0x125: {  	v11 =	vld [tilespmem:$0x4980];
	_ =	sdelay $0x1  }
0x126: {  	v12 =	vld [tilespmem:$0x4D80];
	_ =	sdelay $0x1  }
0x127: {  	v34 =	vpop (erf)  }
0x128: {  	v11 =	vmul.f32 v34, v11;
	_ =	sdelay $0x1  }
0x129: {  	v12 =	vmul.f32 v34, v12;
	v35 =	vmul.f32 v11, v11;
	_ =	sdelay $0x1  }
0x12a: {  	v12 =	vsub.f32 v12, v35;
	_ =	sdelay $0x1  }
0x12b: {  	v12 =	vadd.f32 $9.999999740e-06, v12;
	_ =	sdelay $0x1  }
0x12c: {  	v36 =	vshrl.u32 v12, $0x1;
	v12 =	vmul.f32 $5.000000000e-01, v12  }
0x12d: {  	v13 =	vsub.s32 $0x5F3759DF, v36  }
0x12e: {  	v37 =	vmul.f32 v13, v12;
	_ =	sdelay $0x1  }
0x12f: {  	v14 =	vmul.f32 v13, v37;
	_ =	sdelay $0x1  }
0x130: {  	v14 =	vsub.f32 $1.500000000e+00, v14;
	_ =	sdelay $0x1  }
0x131: {  	v13 =	vmul.f32 v13, v14;
	_ =	sdelay $0x1  }
0x132: {  	v14 =	vmul.f32 v13, v12;
	_ =	sdelay $0x1  }
0x133: {  	v14 =	vmul.f32 v14, v13;
	_ =	sdelay $0x1  }
0x134: {  	v14 =	vsub.f32 $1.500000000e+00, v14;
	_ =	sdelay $0x1  }
0x135: {  	v13 =	vmul.f32 v14, v13;
	_ =	sdelay $0x1  }
0x136: {  	v12 =	vmul.f32 v13, v12;
	_ =	sdelay $0x1  }
0x137: {  	v12 =	vmul.f32 v12, v13  }
0x138: {  	v38 =	vld.idx.msk [tilespmem:v6+s18+$0x0], $0xffff  }
0x139: {  	v12 =	vsub.f32 $1.500000000e+00, v12;
	_ =	sdelay $0x1  }
0x13a: {  	v12 =	vmul.f32 v12, v13  }
0x13b: {  	v39 =	vld.idx.msk [tilespmem:v6+s19+$0x0], $0xffff  }
0x13c: {  	v12 =	vmul.f32 v12, v38;
	_ =	sdelay $0x1  }
0x13d: {  	v11 =	vmul.f32 v12, v11;
	_ =	sdelay $0x1  }
0x13e: {  	v11 =	vsub.f32 v39, v11  }
0x13f: {  	[tilespmem:v6+s22+$0x0] =	vst.idx.msk $0xffff, v12  }
0x140: {  	[tilespmem:v6+s23+$0x0] =	vst.idx.msk $0xffff, v11  }
0x141: {  	v11 =	vld [tilespmem:$0x5200];
	_ =	sdelay $0x4  }
0x142: {  	v11 =	vmul.f32 $1.960000000e+02, v11;
	_ =	sdelay $0x1  }
0x143: {  	v11 =	vmax.f32 v11, $1.000000000e+00  }
0x144: {  	(erf) = vrcp.f32 v11;
	_ =	sdelay $0x4  }
0x145: {  	v11 =	vld [tilespmem:$0x4A00];
	_ =	sdelay $0x1  }
0x146: {  	v12 =	vld [tilespmem:$0x4E00];
	_ =	sdelay $0x1  }
0x147: {  	v40 =	vpop (erf)  }
0x148: {  	v11 =	vmul.f32 v40, v11;
	_ =	sdelay $0x1  }
0x149: {  	v12 =	vmul.f32 v40, v12;
	v41 =	vmul.f32 v11, v11;
	_ =	sdelay $0x1  }
0x14a: {  	v12 =	vsub.f32 v12, v41;
	_ =	sdelay $0x1  }
0x14b: {  	v12 =	vadd.f32 $9.999999740e-06, v12;
	_ =	sdelay $0x1  }
0x14c: {  	v42 =	vshrl.u32 v12, $0x1;
	v12 =	vmul.f32 $5.000000000e-01, v12  }
0x14d: {  	v13 =	vsub.s32 $0x5F3759DF, v42  }
0x14e: {  	v43 =	vmul.f32 v13, v12;
	_ =	sdelay $0x1  }
0x14f: {  	v14 =	vmul.f32 v13, v43;
	_ =	sdelay $0x1  }
0x150: {  	v14 =	vsub.f32 $1.500000000e+00, v14;
	_ =	sdelay $0x1  }
0x151: {  	v13 =	vmul.f32 v13, v14;
	_ =	sdelay $0x1  }
0x152: {  	v14 =	vmul.f32 v13, v12;
	_ =	sdelay $0x1  }
0x153: {  	v14 =	vmul.f32 v14, v13;
	_ =	sdelay $0x1  }
0x154: {  	v14 =	vsub.f32 $1.500000000e+00, v14;
	_ =	sdelay $0x1  }
0x155: {  	v13 =	vmul.f32 v14, v13;
	_ =	sdelay $0x1  }
0x156: {  	v12 =	vmul.f32 v13, v12;
	_ =	sdelay $0x1  }
0x157: {  	v12 =	vmul.f32 v12, v13  }
0x158: {  	v44 =	vld.idx.msk [tilespmem:v7+s18+$0x0], $0xffff  }
0x159: {  	v12 =	vsub.f32 $1.500000000e+00, v12;
	_ =	sdelay $0x1  }
0x15a: {  	v12 =	vmul.f32 v12, v13  }
0x15b: {  	v45 =	vld.idx.msk [tilespmem:v7+s19+$0x0], $0xffff  }
0x15c: {  	v12 =	vmul.f32 v12, v44;
	_ =	sdelay $0x1  }
0x15d: {  	v11 =	vmul.f32 v12, v11;
	_ =	sdelay $0x1  }
0x15e: {  	v11 =	vsub.f32 v45, v11  }
0x15f: {  	[tilespmem:v7+s22+$0x0] =	vst.idx.msk $0xffff, v12  }
0x160: {  	[tilespmem:v7+s23+$0x0] =	vst.idx.msk $0xffff, v11  }
0x161: {  	v11 =	vld [tilespmem:$0x5280];
	_ =	sdelay $0x4  }
0x162: {  	v11 =	vmul.f32 $1.960000000e+02, v11;
	_ =	sdelay $0x1  }
0x163: {  	v11 =	vmax.f32 v11, $1.000000000e+00  }
0x164: {  	(erf) = vrcp.f32 v11;
	_ =	sdelay $0x4  }
0x165: {  	v11 =	vld [tilespmem:$0x4A80];
	_ =	sdelay $0x1  }
0x166: {  	v12 =	vld [tilespmem:$0x4E80];
	_ =	sdelay $0x1  }
0x167: {  	v46 =	vpop (erf)  }
0x168: {  	v11 =	vmul.f32 v46, v11;
	_ =	sdelay $0x1  }
0x169: {  	v12 =	vmul.f32 v46, v12;
	v47 =	vmul.f32 v11, v11;
	_ =	sdelay $0x1  }
0x16a: {  	v12 =	vsub.f32 v12, v47;
	_ =	sdelay $0x1  }
0x16b: {  	v12 =	vadd.f32 $9.999999740e-06, v12;
	_ =	sdelay $0x1  }
0x16c: {  	v48 =	vshrl.u32 v12, $0x1;
	v12 =	vmul.f32 $5.000000000e-01, v12  }
0x16d: {  	v13 =	vsub.s32 $0x5F3759DF, v48  }
0x16e: {  	v49 =	vmul.f32 v13, v12;
	_ =	sdelay $0x1  }
0x16f: {  	v14 =	vmul.f32 v13, v49;
	_ =	sdelay $0x1  }
0x170: {  	v14 =	vsub.f32 $1.500000000e+00, v14;
	_ =	sdelay $0x1  }
0x171: {  	v13 =	vmul.f32 v13, v14;
	_ =	sdelay $0x1  }
0x172: {  	v14 =	vmul.f32 v13, v12;
	_ =	sdelay $0x1  }
0x173: {  	v14 =	vmul.f32 v14, v13;
	_ =	sdelay $0x1  }
0x174: {  	v14 =	vsub.f32 $1.500000000e+00, v14;
	_ =	sdelay $0x1  }
0x175: {  	v13 =	vmul.f32 v14, v13;
	_ =	sdelay $0x1  }
0x176: {  	v12 =	vmul.f32 v13, v12;
	_ =	sdelay $0x1  }
0x177: {  	v12 =	vmul.f32 v12, v13  }
0x178: {  	v50 =	vld.idx.msk [tilespmem:v8+s18+$0x0], $0xffff  }
0x179: {  	v12 =	vsub.f32 $1.500000000e+00, v12;
	_ =	sdelay $0x1  }
0x17a: {  	v12 =	vmul.f32 v12, v13  }
0x17b: {  	v51 =	vld.idx.msk [tilespmem:v8+s19+$0x0], $0xffff  }
0x17c: {  	v12 =	vmul.f32 v12, v50;
	_ =	sdelay $0x1  }
0x17d: {  	v11 =	vmul.f32 v12, v11;
	_ =	sdelay $0x1  }
0x17e: {  	v11 =	vsub.f32 v51, v11  }
0x17f: {  	[tilespmem:v8+s22+$0x0] =	vst.idx.msk $0xffff, v12  }
0x180: {  	[tilespmem:v8+s23+$0x0] =	vst.idx.msk $0xffff, v11  }
0x181: {  	v11 =	vld [tilespmem:$0x5300];
	_ =	sdelay $0x4  }
0x182: {  	v11 =	vmul.f32 $1.960000000e+02, v11;
	_ =	sdelay $0x1  }
0x183: {  	v11 =	vmax.f32 v11, $1.000000000e+00  }
0x184: {  	(erf) = vrcp.f32 v11;
	_ =	sdelay $0x4  }
0x185: {  	v11 =	vld [tilespmem:$0x4B00];
	_ =	sdelay $0x1  }
0x186: {  	v12 =	vld [tilespmem:$0x4F00];
	_ =	sdelay $0x1  }
0x187: {  	v52 =	vpop (erf)  }
0x188: {  	v11 =	vmul.f32 v52, v11;
	_ =	sdelay $0x1  }
0x189: {  	v12 =	vmul.f32 v52, v12;
	v53 =	vmul.f32 v11, v11;
	_ =	sdelay $0x1  }
0x18a: {  	v12 =	vsub.f32 v12, v53;
	_ =	sdelay $0x1  }
0x18b: {  	v12 =	vadd.f32 $9.999999740e-06, v12;
	_ =	sdelay $0x1  }
0x18c: {  	v54 =	vshrl.u32 v12, $0x1;
	v12 =	vmul.f32 $5.000000000e-01, v12  }
0x18d: {  	v13 =	vsub.s32 $0x5F3759DF, v54  }
0x18e: {  	v55 =	vmul.f32 v13, v12;
	_ =	sdelay $0x1  }
0x18f: {  	v14 =	vmul.f32 v13, v55;
	_ =	sdelay $0x1  }
0x190: {  	v14 =	vsub.f32 $1.500000000e+00, v14;
	_ =	sdelay $0x1  }
0x191: {  	v13 =	vmul.f32 v13, v14;
	_ =	sdelay $0x1  }
0x192: {  	v14 =	vmul.f32 v13, v12;
	_ =	sdelay $0x1  }
0x193: {  	v14 =	vmul.f32 v14, v13;
	_ =	sdelay $0x1  }
0x194: {  	v14 =	vsub.f32 $1.500000000e+00, v14;
	_ =	sdelay $0x1  }
0x195: {  	v13 =	vmul.f32 v14, v13;
	_ =	sdelay $0x1  }
0x196: {  	v12 =	vmul.f32 v13, v12;
	_ =	sdelay $0x1  }
0x197: {  	v12 =	vmul.f32 v12, v13  }
0x198: {  	v56 =	vld.idx.msk [tilespmem:v9+s18+$0x0], $0xffff  }
0x199: {  	v12 =	vsub.f32 $1.500000000e+00, v12;
	_ =	sdelay $0x1  }
0x19a: {  	v12 =	vmul.f32 v12, v13  }
0x19b: {  	v57 =	vld.idx.msk [tilespmem:v9+s19+$0x0], $0xffff  }
0x19c: {  	v12 =	vmul.f32 v12, v56;
	_ =	sdelay $0x1  }
0x19d: {  	v11 =	vmul.f32 v12, v11;
	_ =	sdelay $0x1  }
0x19e: {  	v11 =	vsub.f32 v57, v11  }
0x19f: {  	[tilespmem:v9+s22+$0x0] =	vst.idx.msk $0xffff, v12  }
0x1a0: {  	[tilespmem:v9+s23+$0x0] =	vst.idx.msk $0xffff, v11  }
0x1a1: {  	v11 =	vld [tilespmem:$0x5380];
	_ =	sdelay $0x4  }
0x1a2: {  	v11 =	vmul.f32 $1.960000000e+02, v11;
	_ =	sdelay $0x1  }
0x1a3: {  	v11 =	vmax.f32 v11, $1.000000000e+00  }
0x1a4: {  	(erf) = vrcp.f32 v11;
	_ =	sdelay $0x4  }
0x1a5: {  	v11 =	vld [tilespmem:$0x4B80];
	_ =	sdelay $0x1  }
0x1a6: {  	v12 =	vld [tilespmem:$0x4F80];
	_ =	sdelay $0x1  }
0x1a7: {  	v58 =	vpop (erf)  }
0x1a8: {  	v11 =	vmul.f32 v58, v11;
	_ =	sdelay $0x1  }
0x1a9: {  	v12 =	vmul.f32 v58, v12;
	v59 =	vmul.f32 v11, v11;
	_ =	sdelay $0x1  }
0x1aa: {  	v12 =	vsub.f32 v12, v59;
	_ =	sdelay $0x1  }
0x1ab: {  	v12 =	vadd.f32 $9.999999740e-06, v12;
	_ =	sdelay $0x1  }
0x1ac: {  	v60 =	vshrl.u32 v12, $0x1;
	v12 =	vmul.f32 $5.000000000e-01, v12  }
0x1ad: {  	v13 =	vsub.s32 $0x5F3759DF, v60  }
0x1ae: {  	v61 =	vmul.f32 v13, v12;
	_ =	sdelay $0x1  }
0x1af: {  	v14 =	vmul.f32 v13, v61;
	_ =	sdelay $0x1  }
0x1b0: {  	v14 =	vsub.f32 $1.500000000e+00, v14;
	_ =	sdelay $0x1  }
0x1b1: {  	v13 =	vmul.f32 v13, v14;
	_ =	sdelay $0x1  }
0x1b2: {  	v14 =	vmul.f32 v13, v12;
	_ =	sdelay $0x1  }
0x1b3: {  	v14 =	vmul.f32 v14, v13;
	_ =	sdelay $0x1  }
0x1b4: {  	v14 =	vsub.f32 $1.500000000e+00, v14;
	_ =	sdelay $0x1  }
0x1b5: {  	v13 =	vmul.f32 v14, v13;
	_ =	sdelay $0x1  }
0x1b6: {  	v12 =	vmul.f32 v13, v12;
	_ =	sdelay $0x1  }
0x1b7: {  	v12 =	vmul.f32 v12, v13  }
0x1b8: {  	v62 =	vld.idx.msk [tilespmem:v10+s18+$0x0], $0xffff  }
0x1b9: {  	v12 =	vsub.f32 $1.500000000e+00, v12;
	_ =	sdelay $0x1  }
0x1ba: {  	v12 =	vmul.f32 v12, v13  }
0x1bb: {  	v63 =	vld.idx.msk [tilespmem:v10+s19+$0x0], $0xffff  }
0x1bc: {  	v12 =	vmul.f32 v12, v62;
	_ =	sdelay $0x1  }
0x1bd: {  	v11 =	vmul.f32 v12, v11;
	_ =	sdelay $0x1  }
0x1be: {  	v11 =	vsub.f32 v63, v11  }
0x1bf: {  	[tilespmem:v10+s22+$0x0] =	vst.idx.msk $0xffff, v12  }
0x1c0: {  	[tilespmem:v10+s23+$0x0] =	vst.idx.msk $0xffff, v11  }
0x1c1: {  	[hbm4b:s7+s2] =	stream.linear.scatter [tilespmem:s22], [sflag:$0x2], $0x800, $0x38;
	[tilespmem:$0x8400] =	vst v63  }
0x1c2: {  	_ =	swait.ge [sflag:s24], $0x800  }
0x1c3: {  	[sflag:s24] =	ssyncset.done $0x0  }
0x1c4: {  	[sflag:s24] =	ssyncadd.s32 $0xFFFFF800  }
0x1c5: {  	[hbm4b:s8+s2] =	stream.linear.scatter [tilespmem:s23], [sflag:$0x2], $0x800, $0x38;
	[tilespmem:$0x8400] =	vst v63  }
0x1c6: {  	_ =	swait.ge [sflag:s24], $0x800  }
0x1c7: {  	s26 =	simm.s32 @!p0 $0x0;
	s25 =	sadd.s32 $0x1, s25;
	[sflag:s24] =	ssyncset.done $0x0  }
0x1c8: {  	s28 =	simm.s32 @!p0 $0x6400;
	p1 =	sne.s32 s25, s13;
	[sflag:s24] =	ssyncadd.s32 $0xFFFFF800  }
0x1c9: {  	[hbm4b:s6+s26] =	stream.linear.scatter @!p0 [tilespmem:s28], [sflag:$0x2], $0x2000, $0x38;
	[tilespmem:$0x8400] =	vst v63  }
.Ltmp2:
0x1ca: {  	_ = 	snop;
	(pc) =	sbr.rel @p1 .LBB2_2-.Ltmp2, $4  }
0x1cb: {  	s26 =	simm.s32 @!p0 $0x2  }
0x1cc: {  	_ =	swait.ge @!p0 [sflag:s26], $0x2000  }
0x1cd: {  	[sflag:s26] =	ssyncset.done @!p0 $0x0  }
0x1ce: {  	[sflag:s26] =	ssyncadd.s32 @!p0 $0xFFFFE000  }
.LBB2_5:
0x1cf: {  	_ =	sfence.sel $0x180000  }
0x1d0: {  	[bflag:$0x0] =	sbarrier.arrive $0xFFFF  }
0x1d1: {  	p0 =	sne.s32 s1, $0x0;
	_ =	strace $0x90000047  }
0x1d2: {  	s0 =	sadd.s32 @!p0 $0x100000, s0;
	[bflag:$0x2] =	sbarrier.arrive $0xFFFF  }
0x1d3: {  	[sflag:s0] =	ssyncadd.tile.s32 @!p0 $0x1;
	_ =	shalt  }
.Lfunc_end2:
_tile_overlayer_lowered:
.L_overlay_start_2:
0x1d4: {  	(tag) =	ssettag $0x2  }
0x1d5: {  	s0 =	rddreg [dreg:$0x0];
	s2 =	stileid.u32  }
0x1d6: {  	s1 =	rddreg [dreg:$0x1];
	p0 =	sne.s32 s2, $0x0  }
0x1d7: {  	s3 =	rddreg [dreg:$0x2];
	[bflag:$0x3] =	sbarrier.arrive $0xFFFF;
	s2 =	simm.s32 @!p0 $0x1C02  }
0x1d8: {  	[timem:s3], [sflag:s2] =	dma.local @!p0 [hbm:s0], s1  }
0x1d9: {  	s0 =	simm.s32 @!p0 $0x2  }
0x1da: {  	_ =	swait.ge @!p0 [sflag:s0], s1  }
0x1db: {  	s1 =	ssub.s32 @!p0 $0x0, s1;
	[sflag:s0] =	ssyncset.done @!p0 $0x0  }
0x1dc: {  	[sflag:s0] =	ssyncadd.s32 @!p0 s1  }
0x1dd: {  	[bflag:$0x3] =	sbarrier.arrive $0xFFFF  }
0x1de: {  	_ =	shalt  }

</sc_bundles>
